<compile_context>
chip_gen: v7x
topology: tpu7x:2x2x1
jax: 0.10.2.dev20260603
libtpu: 0.0.44.dev20260713+nightly
codegen_flags: <defaults>
</compile_context>

<pallas_src>
import jax
import jax.numpy as jnp
from jax import lax
from jax.experimental import pallas as pl
from jax.experimental.pallas import tpu as pltpu
from jax.experimental.pallas import tpu_sc as plsc

N = 10000
E = 160000
NODE_IN = 128
H = 32
H2 = H * H
W = 128

TN = 2000
TE = 2000

NC = 2
NS = 16
NW = NC * NS
CH = 128
NCHUNK = E // CH
CPW = -(-NCHUNK // NW)
NP = 10240

_PREC = lax.Precision.DEFAULT


def _dot(a, b):
    return jnp.dot(a, b, preferred_element_type=jnp.float32, precision=_PREC)



def _h_body(x_ref, w_ref, b_ref, o_ref):
    o_ref[...] = jnp.maximum(_dot(x_ref[...], w_ref[...]) + b_ref[...], 0.0)


def _compute_h(x, W_in, b_in):
    return pl.pallas_call(
        _h_body,
        grid=(N // TN,),
        in_specs=[
            pl.BlockSpec((TN, NODE_IN), lambda i: (i, 0)),
            pl.BlockSpec((NODE_IN, H), lambda i: (0, 0)),
            pl.BlockSpec((1, H), lambda i: (0, 0)),
        ],
        out_specs=pl.BlockSpec((TN, H), lambda i: (i, 0)),
        out_shape=jax.ShapeDtypeStruct((N, H), jnp.float32),
    )(x, W_in, b_in.reshape(1, H))



_SC_MESH = plsc.VectorSubcoreMesh(core_axis_name="c", subcore_axis_name="s")


def _gather_body(h_hbm, src_hbm, out_hbm,
                 idxA, idxB, rowsA, rowsB, sgA, sgB, swA, swB):
    wid = lax.axis_index("s") * NC + lax.axis_index("c")

    def chunk_of(j):
        return wid + j * NW

    def step(j, idx_v, rows_v, semg, semw):
        c = chunk_of(j)

        @pl.when((j >= 2) & (c < NCHUNK))
        def _():
            pltpu.make_async_copy(
                rows_v, out_hbm.at[pl.ds(0, CH), pl.ds(0, H)], semw).wait()

        @pl.when(c < NCHUNK)
        def _():
            pltpu.sync_copy(src_hbm.at[c], idx_v)
            pltpu.async_copy(h_hbm.at[idx_v], rows_v, semg).wait()
            pltpu.async_copy(
                rows_v, out_hbm.at[pl.ds(c * CH, CH), pl.ds(0, H)], semw)

    def body(k, carry):
        step(2 * k, idxA, rowsA, sgA, swA)
        step(2 * k + 1, idxB, rowsB, sgB, swB)
        return carry

    lax.fori_loop(0, CPW // 2, body, 0)

    for j, rows_v, semw in ((CPW - 2, rowsA, swA), (CPW - 1, rowsB, swB)):
        @pl.when(chunk_of(j) < NCHUNK)
        def _():
            pltpu.make_async_copy(
                rows_v, out_hbm.at[pl.ds(0, CH), pl.ds(0, H)], semw).wait()


_gather_call = pl.kernel(
    _gather_body,
    out_type=jax.ShapeDtypeStruct((E, W), jnp.float32),
    mesh=_SC_MESH,
    scratch_types=[
        pltpu.VMEM((CH,), jnp.int32),
        pltpu.VMEM((CH,), jnp.int32),
        pltpu.VMEM((CH, H), jnp.float32),
        pltpu.VMEM((CH, H), jnp.float32),
        pltpu.SemaphoreType.DMA,
        pltpu.SemaphoreType.DMA,
        pltpu.SemaphoreType.DMA,
        pltpu.SemaphoreType.DMA,
    ],
    compiler_params=pltpu.CompilerParams(use_tc_tiling_on_sc=False),
)



def _msg_body(ea_ref, hs_ref, w1r_ref, p2_ref, b2m_ref, o_ref):
    tbig = jnp.maximum(
        jnp.dot(ea_ref[...], w1r_ref[...],
                preferred_element_type=jnp.float32).astype(jnp.bfloat16), 0)
    hs = hs_ref[:, :H]
    u = tbig * jnp.tile(hs.astype(jnp.bfloat16), (1, H))
    msg = (jnp.dot(u, p2_ref[...], preferred_element_type=jnp.float32)
           + _dot(hs, b2m_ref[...]))
    o_ref[...] = jnp.concatenate(
        [msg,
         jnp.ones((TE, 1), jnp.float32),
         jnp.zeros((TE, W - H - 1), jnp.float32)], axis=1)


def _compute_msg(ea_aug, hsrc, W1r_aug, P2, B2m):
    return pl.pallas_call(
        _msg_body,
        grid=(E // TE,),
        in_specs=[
            pl.BlockSpec((TE, 17), lambda i: (i, 0)),
            pl.BlockSpec((TE, W), lambda i: (i, 0)),
            pl.BlockSpec((17, H2), lambda i: (0, 0)),
            pl.BlockSpec((H2, H), lambda i: (0, 0)),
            pl.BlockSpec((H, H), lambda i: (0, 0)),
        ],
        out_specs=pl.BlockSpec((TE, W), lambda i: (i, 0)),
        out_shape=jax.ShapeDtypeStruct((E, W), jnp.float32),
    )(ea_aug, hsrc, W1r_aug, P2, B2m)



SW = 48
HALF = NP // 2
HR = HALF + CH
ZR2 = HR // NS
OR2 = HALF // NS
CPW2 = -(-NCHUNK // NS)


def _clamp_idx(idx_ref, lo):
    for i in range(CH // 16):
        v = idx_ref[pl.ds(i * 16, 16)]
        rel = v - lo
        ok = (rel >= 0) & (rel < HALF)
        idx_ref[pl.ds(i * 16, 16)] = jnp.where(ok, rel, HALF)


def _scatter_body(dst_hbm, msg_hbm, zrows_hbm, agg_hbm,
                  idx0, idx1, idx2, rows0, rows1, rows2, acc_sh,
                  si0, si1, si2, sr0, sr1, sr2, ss0, ss1, ss2):
    cid = lax.axis_index("c")
    sid = lax.axis_index("s")
    lo = cid * HALF

    pltpu.sync_copy(zrows_hbm, acc_sh.at[pl.ds(sid * ZR2, ZR2)])
    plsc.subcore_barrier()

    def chunk_of(j):
        return sid + j * NS

    def start(j, idx_v, rows_v, semi, semr):
        c = chunk_of(j)

        @pl.when(c < NCHUNK)
        def _():
            pltpu.async_copy(dst_hbm.at[c], idx_v, semi)
            pltpu.async_copy(
                msg_hbm.at[pl.ds(c * CH, CH), pl.ds(0, SW)], rows_v, semr)

    def process(j, idx_v, rows_v, semi, semr, sems):
        c = chunk_of(j)

        @pl.when(c < NCHUNK)
        def _():
            pltpu.make_async_copy(dst_hbm.at[c], idx_v, semi).wait()
            pltpu.make_async_copy(
                msg_hbm.at[pl.ds(c * CH, CH), pl.ds(0, SW)], rows_v, semr).wait()
            _clamp_idx(idx_v, lo)
            pltpu.async_copy(rows_v, acc_sh.at[idx_v], sems, add=True)

    def drain(j, rows_v, sems):
        @pl.when((j >= 0) & (chunk_of(j) < NCHUNK))
        def _():
            pltpu.make_async_copy(
                rows_v, acc_sh.at[pl.ds(0, CH)], sems).wait()

    start(0, idx0, rows0, si0, sr0)
    start(1, idx1, rows1, si1, sr1)

    def body(k, carry):
        process(3 * k, idx0, rows0, si0, sr0, ss0)
        drain(3 * k - 1, rows2, ss2)
        start(3 * k + 2, idx2, rows2, si2, sr2)
        process(3 * k + 1, idx1, rows1, si1, sr1, ss1)
        drain(3 * k, rows0, ss0)
        start(3 * k + 3, idx0, rows0, si0, sr0)
        process(3 * k + 2, idx2, rows2, si2, sr2, ss2)
        drain(3 * k + 1, rows1, ss1)
        start(3 * k + 4, idx1, rows1, si1, sr1)
        return carry

    nit = -(-CPW2 // 3)
    lax.fori_loop(0, nit, body, 0)
    drain(3 * nit - 1, rows2, ss2)
    drain(3 * nit, rows0, ss0)
    drain(3 * nit + 1, rows1, ss1)
    plsc.subcore_barrier()

    pltpu.sync_copy(acc_sh.at[pl.ds(sid * OR2, OR2)],
                    agg_hbm.at[pl.ds(cid * HALF + sid * OR2, OR2), pl.ds(0, SW)])


_scatter_call = pl.kernel(
    _scatter_body,
    out_type=jax.ShapeDtypeStruct((NP, W), jnp.float32),
    mesh=_SC_MESH,
    scratch_types=[
        pltpu.VMEM((CH,), jnp.int32),
        pltpu.VMEM((CH,), jnp.int32),
        pltpu.VMEM((CH,), jnp.int32),
        pltpu.VMEM((CH, SW), jnp.float32),
        pltpu.VMEM((CH, SW), jnp.float32),
        pltpu.VMEM((CH, SW), jnp.float32),
        pltpu.VMEM_SHARED((HR, SW), jnp.float32),
        pltpu.SemaphoreType.DMA,
        pltpu.SemaphoreType.DMA,
        pltpu.SemaphoreType.DMA,
        pltpu.SemaphoreType.DMA,
        pltpu.SemaphoreType.DMA,
        pltpu.SemaphoreType.DMA,
        pltpu.SemaphoreType.DMA,
        pltpu.SemaphoreType.DMA,
        pltpu.SemaphoreType.DMA,
    ],
    compiler_params=pltpu.CompilerParams(use_tc_tiling_on_sc=False),
)



def _final_body(h_ref, pp_ref, wr_ref, cb_ref,
                wir_ref, wiz_ref, win_ref, whr_ref, whz_ref, whn_ref,
                br_ref, bz_ref, bin_ref, bhn_ref, o_ref):
    h = h_ref[...]
    p = pp_ref[...]
    cnt = jnp.maximum(p[:, H:H + 1], 1.0)
    agg = p[:, :H] / cnt
    conv = agg + _dot(h, wr_ref[...]) + cb_ref[...]
    m = jnp.maximum(conv, 0.0)
    r = jax.nn.sigmoid(_dot(m, wir_ref[...]) + _dot(h, whr_ref[...]) + br_ref[...])
    z = jax.nn.sigmoid(_dot(m, wiz_ref[...]) + _dot(h, whz_ref[...]) + bz_ref[...])
    n = jnp.tanh(_dot(m, win_ref[...]) + bin_ref[...]
                 + r * (_dot(h, whn_ref[...]) + bhn_ref[...]))
    o_ref[...] = (1.0 - z) * n + z * h


def _compute_final(h, aggp, weights):
    h_spec = pl.BlockSpec((TN, H), lambda i: (i, 0))
    pp_spec = pl.BlockSpec((TN, W), lambda i: (i, 0))
    w_spec = pl.BlockSpec((H, H), lambda i: (0, 0))
    b_spec = pl.BlockSpec((1, H), lambda i: (0, 0))
    return pl.pallas_call(
        _final_body,
        grid=(N // TN,),
        in_specs=[h_spec, pp_spec,
                  w_spec, b_spec,
                  w_spec, w_spec, w_spec, w_spec, w_spec, w_spec,
                  b_spec, b_spec, b_spec, b_spec],
        out_specs=pl.BlockSpec((TN, H), lambda i: (i, 0)),
        out_shape=jax.ShapeDtypeStruct((N, H), jnp.float32),
    )(h, aggp, *weights)



def kernel(x, edge_index, edge_attr, W_in, b_in, W1, b1, W2, b2,
           W_root, conv_bias, W_ih, W_hh, b_ih, b_hh):
    src2d = edge_index[0].reshape(NCHUNK, CH)
    dst2d = edge_index[1].reshape(NCHUNK, CH)

    W1r_aug = jnp.concatenate(
        [jnp.repeat(W1, H, axis=1), jnp.repeat(b1, H).reshape(1, H2)],
        axis=0).astype(jnp.bfloat16)
    ea_aug = jnp.concatenate(
        [edge_attr, jnp.ones((E, 1), jnp.float32)], axis=1).astype(jnp.bfloat16)
    P2 = W2.reshape(H2, H).astype(jnp.bfloat16)
    B2m = b2.reshape(H, H)

    Wir, Wiz, Win = (W_ih[i * H:(i + 1) * H, :].T for i in range(3))
    Whr, Whz, Whn = (W_hh[i * H:(i + 1) * H, :].T for i in range(3))
    br = (b_ih[0:H] + b_hh[0:H]).reshape(1, H)
    bz = (b_ih[H:2 * H] + b_hh[H:2 * H]).reshape(1, H)
    bin_ = b_ih[2 * H:3 * H].reshape(1, H)
    bhn = b_hh[2 * H:3 * H].reshape(1, H)

    h = _compute_h(x, W_in, b_in)
    hsrc = _gather_call(h, src2d)
    msg = _compute_msg(ea_aug, hsrc, W1r_aug, P2, B2m)
    zrows = jnp.zeros((ZR2, SW), jnp.float32)
    aggp = _scatter_call(dst2d, msg, zrows)

    weights = (W_root, conv_bias.reshape(1, H),
               Wir, Wiz, Win, Whr, Whz, Whn, br, bz, bin_, bhn)
    return _compute_final(h, aggp, weights)

# --- scband reference (transcript-rebuilt; emitter-appended) ---
"""Pipeline reference for scband-mpnnencoder-27298812134155 (READ-ONLY COPY).

The authoritative reference and input builder live on the scoring server;
editing this copy changes nothing except your own understanding.
"""

import jax, jax.numpy as jnp
import numpy as np

N = 10000
E = 160000
NODE_IN = 128
EDGE_IN = 16
H = 32


def setup_inputs(seed: int = 0) -> dict:
    key = jax.random.key(seed)
    ks = jax.random.split(key, 16)

    def p(k, shape, scale):
        return jax.random.normal(k, shape, jnp.float32) * scale

    inp = {}
    inp["x"] = jax.random.normal(ks[0], (N, NODE_IN), jnp.float32)
    inp["edge_index"] = jax.random.randint(ks[1], (2, E), 0, N, jnp.int32)
    inp["edge_attr"] = jax.random.normal(ks[2], (E, EDGE_IN), jnp.float32)
    # mlp_in: Linear(node_in_dim -> H)
    inp["W_in"] = p(ks[3], (NODE_IN, H), 1.0 / np.sqrt(NODE_IN))
    inp["b_in"] = jnp.zeros((H,), jnp.float32)
    # edge nn: Linear(edge_in_dim -> H), ReLU, Linear(H -> H*H)
    inp["W1"] = p(ks[4], (EDGE_IN, H), 1.0 / np.sqrt(EDGE_IN))
    inp["b1"] = jnp.zeros((H,), jnp.float32)
    inp["W2"] = p(ks[5], (H, H * H), 1.0 / np.sqrt(H))
    inp["b2"] = jnp.zeros((H * H,), jnp.float32)
    # NNConv root weight + bias
    inp["W_root"] = p(ks[6], (H, H), 1.0 / np.sqrt(H))
    inp["conv_bias"] = jnp.zeros((H,), jnp.float32)
    # GRU (single layer) params, torch layout: W_ih [3H, H], W_hh [3H, H]
    inp["W_ih"] = p(ks[7], (3 * H, H), 1.0 / np.sqrt(H))
    inp["W_hh"] = p(ks[8], (3 * H, H), 1.0 / np.sqrt(H))
    inp["b_ih"] = jnp.zeros((3 * H,), jnp.float32)
    inp["b_hh"] = jnp.zeros((3 * H,), jnp.float32)
    return inp


def _gru_cell(m, h, W_ih, W_hh, b_ih, b_hh):
    gi = m @ W_ih.T + b_ih
    gh = h @ W_hh.T + b_hh
    i_r, i_z, i_n = jnp.split(gi, 3, axis=-1)
    h_r, h_z, h_n = jnp.split(gh, 3, axis=-1)
    r = jax.nn.sigmoid(i_r + h_r)
    z = jax.nn.sigmoid(i_z + h_z)
    n = jnp.tanh(i_n + r * h_n)
    return (1.0 - z) * n + z * h


def reference(x, edge_index, edge_attr, W_in, b_in, W1, b1, W2, b2,
              W_root, conv_bias, W_ih, W_hh, b_ih, b_hh):
    src = edge_index[0]
    dst = edge_index[1]
    # mlp_in
    h = jax.nn.relu(x @ W_in + b_in)
    hidden = h
    # single NNConv layer (num_layers=1), aggr='mean'
    edge_w = (jax.nn.relu(edge_attr @ W1 + b1) @ W2 + b2).reshape(E, H, H)
    msg = jnp.einsum('eh,ehk->ek', h[src], edge_w)
    agg = jax.ops.segment_sum(msg, dst, num_segments=N)
    cnt = jax.ops.segment_sum(jnp.ones((E,), jnp.float32), dst, num_segments=N)
    agg = agg / jnp.clip(cnt, 1.0, None)[:, None]
    conv = agg + h @ W_root + conv_bias
    m_v = jax.nn.relu(conv)
    # GRU step (seq_len=1): h, hidden = gru(m_v.unsqueeze(0), hidden)
    h = _gru_cell(m_v, hidden, W_ih, W_hh, b_ih, b_hh)
    return h

if __name__ == "__main__":
    import jax
    _d = setup_inputs()
    print(jax.jit(kernel)(*tuple(_d.values())))

</pallas_src>

<mosaic_0001>
#map = affine_map<(d0, d1) -> (0, 0)>
module attributes {stable_mosaic.version = 14 : i64} {
  func.func @_gather_body(%arg0: i32, %arg1: i32, %arg2: memref<10000x32xf32, #tpu.memory_space<hbm>>, %arg3: memref<1250x128xi32, #tpu.memory_space<hbm>>, %arg4: memref<160000x128xf32, #tpu.memory_space<hbm>>, %arg5: memref<128xi32, #tpu.memory_space<vmem>>, %arg6: memref<128xi32, #tpu.memory_space<vmem>>, %arg7: memref<128x32xf32, #tpu.memory_space<vmem>>, %arg8: memref<128x32xf32, #tpu.memory_space<vmem>>, %arg9: memref<!tpu.dma_semaphore, #tpu.memory_space<semaphore_mem>>, %arg10: memref<!tpu.dma_semaphore, #tpu.memory_space<semaphore_mem>>, %arg11: memref<!tpu.dma_semaphore, #tpu.memory_space<semaphore_mem>>, %arg12: memref<!tpu.dma_semaphore, #tpu.memory_space<semaphore_mem>>) attributes {dimension_semantics = [#tpu.dimension_semantics<core_parallel>, #tpu.dimension_semantics<subcore_parallel>], iteration_bounds = array<i64: 2, 16>, scalar_prefetch = 0 : i64, scratch_operands = 8 : i64, tpu.core_type = #tpu.core_type<sc_vector_subcore>, window_params = [{transform_indices = #map}, {transform_indices = #map}, {transform_indices = #map}]} {
    %mul3A = arith.constant 2 : i32
    %mul3A_0 = arith.muli %arg1, %mul3A : i32
    %add3A = arith.addi %mul3A_0, %arg0 : i32
    %scan3A = arith.constant 0 : i32
    %scan3A_1 = arith.constant 0 : i32
    %scan3A_2 = arith.constant 20 : i32
    %scan3A_3 = arith.addi %scan3A_1, %scan3A_2 : i32
    %scan3A_4 = arith.constant 1 : i32
    scf.for %scan3A_17 = %scan3A_1 to %scan3A_3 step %scan3A_4  : i32 {
      %mul3A_18 = arith.constant 2 : i32
      %mul3A_19 = arith.muli %mul3A_18, %scan3A_17 : i32
      %mul3A_20 = arith.constant 32 : i32
      %mul3A_21 = arith.muli %mul3A_19, %mul3A_20 : i32
      %add3A_22 = arith.addi %add3A, %mul3A_21 : i32
      %ge3A = arith.constant 2 : i32
      %ge3A_23 = arith.cmpi sge, %mul3A_19, %ge3A : i32
      %lt3A_24 = arith.constant 1250 : i32
      %lt3A_25 = arith.cmpi slt, %add3A_22, %lt3A_24 : i32
      %and3A = arith.andi %ge3A_23, %lt3A_25 : i1
      %convert_element_type3A_26 = arith.extui %and3A : i1 to i32
      %cond3A_27 = arith.constant 0 : i32
      %cond3A_28 = arith.cmpi ne, %convert_element_type3A_26, %cond3A_27 : i32
      scf.if %cond3A_28 {
        %dma_wait3A = arith.constant 0 : i32
        %dma_wait3A_54 = arith.constant 0 : i32
        %dma_wait3A_55 = tpu.memref_slice %arg4[%dma_wait3A, %dma_wait3A_54] : memref<160000x128xf32, #tpu.memory_space<hbm>> -> memref<128x32xf32, #tpu.memory_space<hbm>>
        %dma_wait3A_56 = arith.constant 0 : i32
        %dma_wait3A_57 = arith.constant 0 : i32
        %dma_wait3A_58 = tpu.memref_slice %arg4[%dma_wait3A_56, %dma_wait3A_57] : memref<160000x128xf32, #tpu.memory_space<hbm>> -> memref<128x32xf32, #tpu.memory_space<hbm>>
        tpu.wait_dma2 semaphore(%arg11 : memref<!tpu.dma_semaphore, #tpu.memory_space<semaphore_mem>>) src(%arg7 : memref<128x32xf32, #tpu.memory_space<vmem>>) dst(%dma_wait3A_58 : memref<128x32xf32, #tpu.memory_space<hbm>>)
      } else {
      }
      %lt3A_29 = arith.constant 1250 : i32
      %lt3A_30 = arith.cmpi slt, %add3A_22, %lt3A_29 : i32
      %convert_element_type3A_31 = arith.extui %lt3A_30 : i1 to i32
      %cond3A_32 = arith.constant 0 : i32
      %cond3A_33 = arith.cmpi ne, %convert_element_type3A_31, %cond3A_32 : i32
      scf.if %cond3A_33 {
        "tpu.region"() ({
          %run_scoped3A = tpu.sem_alloc : memref<!tpu.dma_semaphore, #tpu.memory_space<semaphore_mem>>
          %dma_start3A_64 = arith.constant 0 : i32
          %dma_start3A_65 = tpu.memref_slice %arg3[%add3A_22, %dma_start3A_64] : memref<1250x128xi32, #tpu.memory_space<hbm>> -> memref<1x128xi32, #tpu.memory_space<hbm>>
          %dma_start3A_66 = tpu.memref_squeeze %dma_start3A_65 : memref<1x128xi32, #tpu.memory_space<hbm>> -> memref<128xi32, #tpu.memory_space<hbm>>
          %dma_start3A_67 = arith.constant 0 : i32
          %dma_start3A_68 = tpu.memref_slice %arg3[%add3A_22, %dma_start3A_67] : memref<1250x128xi32, #tpu.memory_space<hbm>> -> memref<1x128xi32, #tpu.memory_space<hbm>>
          %dma_start3A_69 = tpu.memref_squeeze %dma_start3A_68 : memref<1x128xi32, #tpu.memory_space<hbm>> -> memref<128xi32, #tpu.memory_space<hbm>>
          tpu.enqueue_dma source(%dma_start3A_69 : memref<128xi32, #tpu.memory_space<hbm>>) target(%arg5 : memref<128xi32, #tpu.memory_space<vmem>>) target_semaphore(%run_scoped3A : memref<!tpu.dma_semaphore, #tpu.memory_space<semaphore_mem>>)
          %dma_wait3A_70 = arith.constant 0 : i32
          %dma_wait3A_71 = tpu.memref_slice %arg3[%add3A_22, %dma_wait3A_70] : memref<1250x128xi32, #tpu.memory_space<hbm>> -> memref<1x128xi32, #tpu.memory_space<hbm>>
          %dma_wait3A_72 = tpu.memref_squeeze %dma_wait3A_71 : memref<1x128xi32, #tpu.memory_space<hbm>> -> memref<128xi32, #tpu.memory_space<hbm>>
          %dma_wait3A_73 = arith.constant 0 : i32
          %dma_wait3A_74 = tpu.memref_slice %arg3[%add3A_22, %dma_wait3A_73] : memref<1250x128xi32, #tpu.memory_space<hbm>> -> memref<1x128xi32, #tpu.memory_space<hbm>>
          %dma_wait3A_75 = tpu.memref_squeeze %dma_wait3A_74 : memref<1x128xi32, #tpu.memory_space<hbm>> -> memref<128xi32, #tpu.memory_space<hbm>>
          tpu.wait_dma2 semaphore(%run_scoped3A : memref<!tpu.dma_semaphore, #tpu.memory_space<semaphore_mem>>) src(%dma_wait3A_75 : memref<128xi32, #tpu.memory_space<hbm>>) dst(%arg5 : memref<128xi32, #tpu.memory_space<vmem>>)
          tpu.yield
        }) : () -> ()
        %dma_start3A = arith.constant 0 : i32
        %dma_start3A_54 = arith.constant 0 : i32
        %dma_start3A_55 = tpu.memref_slice %arg2[%dma_start3A, %dma_start3A_54] : memref<10000x32xf32, #tpu.memory_space<hbm>> -> memref<10000x32xf32, #tpu.memory_space<hbm>>
        tpu.enqueue_indirect_dma source(%dma_start3A_55 : memref<10000x32xf32, #tpu.memory_space<hbm>>) target(%arg7 : memref<128x32xf32, #tpu.memory_space<vmem>>) offsets(%arg5 : memref<128xi32, #tpu.memory_space<vmem>>) semaphore(%arg9 : memref<!tpu.dma_semaphore, #tpu.memory_space<semaphore_mem>>)
        %dma_wait3A = arith.constant 0 : i32
        %dma_wait3A_56 = arith.constant 0 : i32
        %dma_wait3A_57 = tpu.memref_slice %arg2[%dma_wait3A, %dma_wait3A_56] : memref<10000x32xf32, #tpu.memory_space<hbm>> -> memref<10000x32xf32, #tpu.memory_space<hbm>>
        tpu.wait_indirect_dma semaphore(%arg9 : memref<!tpu.dma_semaphore, #tpu.memory_space<semaphore_mem>>) src(%dma_wait3A_57 : memref<10000x32xf32, #tpu.memory_space<hbm>>) dst(%arg7 : memref<128x32xf32, #tpu.memory_space<vmem>>)
        %mul3A_58 = arith.constant 128 : i32
        %mul3A_59 = arith.muli %add3A_22, %mul3A_58 : i32
        %dma_start3A_60 = arith.constant 0 : i32
        %dma_start3A_61 = tpu.memref_slice %arg4[%mul3A_59, %dma_start3A_60] : memref<160000x128xf32, #tpu.memory_space<hbm>> -> memref<128x32xf32, #tpu.memory_space<hbm>>
        %dma_start3A_62 = arith.constant 0 : i32
        %dma_start3A_63 = tpu.memref_slice %arg4[%mul3A_59, %dma_start3A_62] : memref<160000x128xf32, #tpu.memory_space<hbm>> -> memref<128x32xf32, #tpu.memory_space<hbm>>
        tpu.enqueue_dma source(%arg7 : memref<128x32xf32, #tpu.memory_space<vmem>>) target(%dma_start3A_63 : memref<128x32xf32, #tpu.memory_space<hbm>>) target_semaphore(%arg11 : memref<!tpu.dma_semaphore, #tpu.memory_space<semaphore_mem>>)
      } else {
      }
      %mul3A_34 = arith.constant 2 : i32
      %mul3A_35 = arith.muli %mul3A_34, %scan3A_17 : i32
      %add3A_36 = arith.constant 1 : i32
      %add3A_37 = arith.addi %mul3A_35, %add3A_36 : i32
      %mul3A_38 = arith.constant 32 : i32
      %mul3A_39 = arith.muli %add3A_37, %mul3A_38 : i32
      %add3A_40 = arith.addi %add3A, %mul3A_39 : i32
      %ge3A_41 = arith.constant 2 : i32
      %ge3A_42 = arith.cmpi sge, %add3A_37, %ge3A_41 : i32
      %lt3A_43 = arith.constant 1250 : i32
      %lt3A_44 = arith.cmpi slt, %add3A_40, %lt3A_43 : i32
      %and3A_45 = arith.andi %ge3A_42, %lt3A_44 : i1
      %convert_element_type3A_46 = arith.extui %and3A_45 : i1 to i32
      %cond3A_47 = arith.constant 0 : i32
      %cond3A_48 = arith.cmpi ne, %convert_element_type3A_46, %cond3A_47 : i32
      scf.if %cond3A_48 {
        %dma_wait3A = arith.constant 0 : i32
        %dma_wait3A_54 = arith.constant 0 : i32
        %dma_wait3A_55 = tpu.memref_slice %arg4[%dma_wait3A, %dma_wait3A_54] : memref<160000x128xf32, #tpu.memory_space<hbm>> -> memref<128x32xf32, #tpu.memory_space<hbm>>
        %dma_wait3A_56 = arith.constant 0 : i32
        %dma_wait3A_57 = arith.constant 0 : i32
        %dma_wait3A_58 = tpu.memref_slice %arg4[%dma_wait3A_56, %dma_wait3A_57] : memref<160000x128xf32, #tpu.memory_space<hbm>> -> memref<128x32xf32, #tpu.memory_space<hbm>>
        tpu.wait_dma2 semaphore(%arg12 : memref<!tpu.dma_semaphore, #tpu.memory_space<semaphore_mem>>) src(%arg8 : memref<128x32xf32, #tpu.memory_space<vmem>>) dst(%dma_wait3A_58 : memref<128x32xf32, #tpu.memory_space<hbm>>)
      } else {
      }
      %lt3A_49 = arith.constant 1250 : i32
      %lt3A_50 = arith.cmpi slt, %add3A_40, %lt3A_49 : i32
      %convert_element_type3A_51 = arith.extui %lt3A_50 : i1 to i32
      %cond3A_52 = arith.constant 0 : i32
      %cond3A_53 = arith.cmpi ne, %convert_element_type3A_51, %cond3A_52 : i32
      scf.if %cond3A_53 {
        "tpu.region"() ({
          %run_scoped3A = tpu.sem_alloc : memref<!tpu.dma_semaphore, #tpu.memory_space<semaphore_mem>>
          %dma_start3A_64 = arith.constant 0 : i32
          %dma_start3A_65 = tpu.memref_slice %arg3[%add3A_40, %dma_start3A_64] : memref<1250x128xi32, #tpu.memory_space<hbm>> -> memref<1x128xi32, #tpu.memory_space<hbm>>
          %dma_start3A_66 = tpu.memref_squeeze %dma_start3A_65 : memref<1x128xi32, #tpu.memory_space<hbm>> -> memref<128xi32, #tpu.memory_space<hbm>>
          %dma_start3A_67 = arith.constant 0 : i32
          %dma_start3A_68 = tpu.memref_slice %arg3[%add3A_40, %dma_start3A_67] : memref<1250x128xi32, #tpu.memory_space<hbm>> -> memref<1x128xi32, #tpu.memory_space<hbm>>
          %dma_start3A_69 = tpu.memref_squeeze %dma_start3A_68 : memref<1x128xi32, #tpu.memory_space<hbm>> -> memref<128xi32, #tpu.memory_space<hbm>>
          tpu.enqueue_dma source(%dma_start3A_69 : memref<128xi32, #tpu.memory_space<hbm>>) target(%arg6 : memref<128xi32, #tpu.memory_space<vmem>>) target_semaphore(%run_scoped3A : memref<!tpu.dma_semaphore, #tpu.memory_space<semaphore_mem>>)
          %dma_wait3A_70 = arith.constant 0 : i32
          %dma_wait3A_71 = tpu.memref_slice %arg3[%add3A_40, %dma_wait3A_70] : memref<1250x128xi32, #tpu.memory_space<hbm>> -> memref<1x128xi32, #tpu.memory_space<hbm>>
          %dma_wait3A_72 = tpu.memref_squeeze %dma_wait3A_71 : memref<1x128xi32, #tpu.memory_space<hbm>> -> memref<128xi32, #tpu.memory_space<hbm>>
          %dma_wait3A_73 = arith.constant 0 : i32
          %dma_wait3A_74 = tpu.memref_slice %arg3[%add3A_40, %dma_wait3A_73] : memref<1250x128xi32, #tpu.memory_space<hbm>> -> memref<1x128xi32, #tpu.memory_space<hbm>>
          %dma_wait3A_75 = tpu.memref_squeeze %dma_wait3A_74 : memref<1x128xi32, #tpu.memory_space<hbm>> -> memref<128xi32, #tpu.memory_space<hbm>>
          tpu.wait_dma2 semaphore(%run_scoped3A : memref<!tpu.dma_semaphore, #tpu.memory_space<semaphore_mem>>) src(%dma_wait3A_75 : memref<128xi32, #tpu.memory_space<hbm>>) dst(%arg6 : memref<128xi32, #tpu.memory_space<vmem>>)
          tpu.yield
        }) : () -> ()
        %dma_start3A = arith.constant 0 : i32
        %dma_start3A_54 = arith.constant 0 : i32
        %dma_start3A_55 = tpu.memref_slice %arg2[%dma_start3A, %dma_start3A_54] : memref<10000x32xf32, #tpu.memory_space<hbm>> -> memref<10000x32xf32, #tpu.memory_space<hbm>>
        tpu.enqueue_indirect_dma source(%dma_start3A_55 : memref<10000x32xf32, #tpu.memory_space<hbm>>) target(%arg8 : memref<128x32xf32, #tpu.memory_space<vmem>>) offsets(%arg6 : memref<128xi32, #tpu.memory_space<vmem>>) semaphore(%arg10 : memref<!tpu.dma_semaphore, #tpu.memory_space<semaphore_mem>>)
        %dma_wait3A = arith.constant 0 : i32
        %dma_wait3A_56 = arith.constant 0 : i32
        %dma_wait3A_57 = tpu.memref_slice %arg2[%dma_wait3A, %dma_wait3A_56] : memref<10000x32xf32, #tpu.memory_space<hbm>> -> memref<10000x32xf32, #tpu.memory_space<hbm>>
        tpu.wait_indirect_dma semaphore(%arg10 : memref<!tpu.dma_semaphore, #tpu.memory_space<semaphore_mem>>) src(%dma_wait3A_57 : memref<10000x32xf32, #tpu.memory_space<hbm>>) dst(%arg8 : memref<128x32xf32, #tpu.memory_space<vmem>>)
        %mul3A_58 = arith.constant 128 : i32
        %mul3A_59 = arith.muli %add3A_40, %mul3A_58 : i32
        %dma_start3A_60 = arith.constant 0 : i32
        %dma_start3A_61 = tpu.memref_slice %arg4[%mul3A_59, %dma_start3A_60] : memref<160000x128xf32, #tpu.memory_space<hbm>> -> memref<128x32xf32, #tpu.memory_space<hbm>>
        %dma_start3A_62 = arith.constant 0 : i32
        %dma_start3A_63 = tpu.memref_slice %arg4[%mul3A_59, %dma_start3A_62] : memref<160000x128xf32, #tpu.memory_space<hbm>> -> memref<128x32xf32, #tpu.memory_space<hbm>>
        tpu.enqueue_dma source(%arg8 : memref<128x32xf32, #tpu.memory_space<vmem>>) target(%dma_start3A_63 : memref<128x32xf32, #tpu.memory_space<hbm>>) target_semaphore(%arg12 : memref<!tpu.dma_semaphore, #tpu.memory_space<semaphore_mem>>)
      } else {
      }
    }
    %scan3A_5 = arith.constant 20 : i32
    %add3A_6 = arith.constant 1216 : i32
    %add3A_7 = arith.addi %add3A, %add3A_6 : i32
    %lt3A = arith.constant 1250 : i32
    %lt3A_8 = arith.cmpi slt, %add3A_7, %lt3A : i32
    %convert_element_type3A = arith.extui %lt3A_8 : i1 to i32
    %cond3A = arith.constant 0 : i32
    %cond3A_9 = arith.cmpi ne, %convert_element_type3A, %cond3A : i32
    scf.if %cond3A_9 {
      %dma_wait3A = arith.constant 0 : i32
      %dma_wait3A_17 = arith.constant 0 : i32
      %dma_wait3A_18 = tpu.memref_slice %arg4[%dma_wait3A, %dma_wait3A_17] : memref<160000x128xf32, #tpu.memory_space<hbm>> -> memref<128x32xf32, #tpu.memory_space<hbm>>
      %dma_wait3A_19 = arith.constant 0 : i32
      %dma_wait3A_20 = arith.constant 0 : i32
      %dma_wait3A_21 = tpu.memref_slice %arg4[%dma_wait3A_19, %dma_wait3A_20] : memref<160000x128xf32, #tpu.memory_space<hbm>> -> memref<128x32xf32, #tpu.memory_space<hbm>>
      tpu.wait_dma2 semaphore(%arg11 : memref<!tpu.dma_semaphore, #tpu.memory_space<semaphore_mem>>) src(%arg7 : memref<128x32xf32, #tpu.memory_space<vmem>>) dst(%dma_wait3A_21 : memref<128x32xf32, #tpu.memory_space<hbm>>)
    } else {
    }
    %add3A_10 = arith.constant 1248 : i32
    %add3A_11 = arith.addi %add3A, %add3A_10 : i32
    %lt3A_12 = arith.constant 1250 : i32
    %lt3A_13 = arith.cmpi slt, %add3A_11, %lt3A_12 : i32
    %convert_element_type3A_14 = arith.extui %lt3A_13 : i1 to i32
    %cond3A_15 = arith.constant 0 : i32
    %cond3A_16 = arith.cmpi ne, %convert_element_type3A_14, %cond3A_15 : i32
    scf.if %cond3A_16 {
      %dma_wait3A = arith.constant 0 : i32
      %dma_wait3A_17 = arith.constant 0 : i32
      %dma_wait3A_18 = tpu.memref_slice %arg4[%dma_wait3A, %dma_wait3A_17] : memref<160000x128xf32, #tpu.memory_space<hbm>> -> memref<128x32xf32, #tpu.memory_space<hbm>>
      %dma_wait3A_19 = arith.constant 0 : i32
      %dma_wait3A_20 = arith.constant 0 : i32
      %dma_wait3A_21 = tpu.memref_slice %arg4[%dma_wait3A_19, %dma_wait3A_20] : memref<160000x128xf32, #tpu.memory_space<hbm>> -> memref<128x32xf32, #tpu.memory_space<hbm>>
      tpu.wait_dma2 semaphore(%arg12 : memref<!tpu.dma_semaphore, #tpu.memory_space<semaphore_mem>>) src(%arg8 : memref<128x32xf32, #tpu.memory_space<vmem>>) dst(%dma_wait3A_21 : memref<128x32xf32, #tpu.memory_space<hbm>>)
    } else {
    }
    return
  }
}

#map = affine_map<(d0, d1) -> (0, 0)>
module attributes {stable_mosaic.version = 14 : i64} {
  func.func @_scatter_body(%arg0: i32, %arg1: i32, %arg2: memref<1250x128xi32, #tpu.memory_space<hbm>>, %arg3: memref<160000x128xf32, #tpu.memory_space<hbm>>, %arg4: memref<328x48xf32, #tpu.memory_space<hbm>>, %arg5: memref<10240x128xf32, #tpu.memory_space<hbm>>, %arg6: memref<128xi32, #tpu.memory_space<vmem>>, %arg7: memref<128xi32, #tpu.memory_space<vmem>>, %arg8: memref<128xi32, #tpu.memory_space<vmem>>, %arg9: memref<128x48xf32, #tpu.memory_space<vmem>>, %arg10: memref<128x48xf32, #tpu.memory_space<vmem>>, %arg11: memref<128x48xf32, #tpu.memory_space<vmem>>, %arg12: memref<5248x48xf32, #tpu.memory_space<vmem_shared>>, %arg13: memref<!tpu.dma_semaphore, #tpu.memory_space<semaphore_mem>>, %arg14: memref<!tpu.dma_semaphore, #tpu.memory_space<semaphore_mem>>, %arg15: memref<!tpu.dma_semaphore, #tpu.memory_space<semaphore_mem>>, %arg16: memref<!tpu.dma_semaphore, #tpu.memory_space<semaphore_mem>>, %arg17: memref<!tpu.dma_semaphore, #tpu.memory_space<semaphore_mem>>, %arg18: memref<!tpu.dma_semaphore, #tpu.memory_space<semaphore_mem>>, %arg19: memref<!tpu.dma_semaphore, #tpu.memory_space<semaphore_mem>>, %arg20: memref<!tpu.dma_semaphore, #tpu.memory_space<semaphore_mem>>, %arg21: memref<!tpu.dma_semaphore, #tpu.memory_space<semaphore_mem>>) attributes {dimension_semantics = [#tpu.dimension_semantics<core_parallel>, #tpu.dimension_semantics<subcore_parallel>], iteration_bounds = array<i64: 2, 16>, scalar_prefetch = 0 : i64, scratch_operands = 16 : i64, tpu.core_type = #tpu.core_type<sc_vector_subcore>, window_params = [{transform_indices = #map}, {transform_indices = #map}, {transform_indices = #map}, {transform_indices = #map}]} {
    %mul3A = arith.constant 5120 : i32
    %mul3A_0 = arith.muli %arg0, %mul3A : i32
    %mul3A_1 = arith.constant 328 : i32
    %mul3A_2 = arith.muli %arg1, %mul3A_1 : i32
    "tpu.region"() ({
      %run_scoped3A = tpu.sem_alloc : memref<!tpu.dma_semaphore, #tpu.memory_space<semaphore_mem>>
      %dma_start3A = arith.constant 0 : i32
      %dma_start3A_52 = tpu.memref_slice %arg12[%mul3A_2, %dma_start3A] : memref<5248x48xf32, #tpu.memory_space<vmem_shared>> -> memref<328x48xf32, #tpu.memory_space<vmem_shared>>
      tpu.enqueue_dma source(%arg4 : memref<328x48xf32, #tpu.memory_space<hbm>>) target(%dma_start3A_52 : memref<328x48xf32, #tpu.memory_space<vmem_shared>>) target_semaphore(%run_scoped3A : memref<!tpu.dma_semaphore, #tpu.memory_space<semaphore_mem>>)
      %dma_wait3A = arith.constant 0 : i32
      %dma_wait3A_53 = tpu.memref_slice %arg12[%mul3A_2, %dma_wait3A] : memref<5248x48xf32, #tpu.memory_space<vmem_shared>> -> memref<328x48xf32, #tpu.memory_space<vmem_shared>>
      tpu.wait_dma2 semaphore(%run_scoped3A : memref<!tpu.dma_semaphore, #tpu.memory_space<semaphore_mem>>) src(%arg4 : memref<328x48xf32, #tpu.memory_space<hbm>>) dst(%dma_wait3A_53 : memref<328x48xf32, #tpu.memory_space<vmem_shared>>)
      tpu.yield
    }) : () -> ()
    %barrier3A = arith.constant 0 : index
    tpu.barrier barrier_id(%barrier3A)
    %add3A = arith.constant 0 : i32
    %add3A_3 = arith.addi %arg1, %add3A : i32
    %lt3A = arith.constant 1250 : i32
    %lt3A_4 = arith.cmpi slt, %add3A_3, %lt3A : i32
    %convert_element_type3A = arith.extui %lt3A_4 : i1 to i32
    %cond3A = arith.constant 0 : i32
    %cond3A_5 = arith.cmpi ne, %convert_element_type3A, %cond3A : i32
    scf.if %cond3A_5 {
      %dma_start3A = arith.constant 0 : i32
      %dma_start3A_52 = tpu.memref_slice %arg2[%add3A_3, %dma_start3A] : memref<1250x128xi32, #tpu.memory_space<hbm>> -> memref<1x128xi32, #tpu.memory_space<hbm>>
      %dma_start3A_53 = tpu.memref_squeeze %dma_start3A_52 : memref<1x128xi32, #tpu.memory_space<hbm>> -> memref<128xi32, #tpu.memory_space<hbm>>
      %dma_start3A_54 = arith.constant 0 : i32
      %dma_start3A_55 = tpu.memref_slice %arg2[%add3A_3, %dma_start3A_54] : memref<1250x128xi32, #tpu.memory_space<hbm>> -> memref<1x128xi32, #tpu.memory_space<hbm>>
      %dma_start3A_56 = tpu.memref_squeeze %dma_start3A_55 : memref<1x128xi32, #tpu.memory_space<hbm>> -> memref<128xi32, #tpu.memory_space<hbm>>
      tpu.enqueue_dma source(%dma_start3A_56 : memref<128xi32, #tpu.memory_space<hbm>>) target(%arg6 : memref<128xi32, #tpu.memory_space<vmem>>) target_semaphore(%arg13 : memref<!tpu.dma_semaphore, #tpu.memory_space<semaphore_mem>>)
      %mul3A_57 = arith.constant 128 : i32
      %mul3A_58 = arith.muli %add3A_3, %mul3A_57 : i32
      %dma_start3A_59 = arith.constant 0 : i32
      %dma_start3A_60 = tpu.memref_slice %arg3[%mul3A_58, %dma_start3A_59] : memref<160000x128xf32, #tpu.memory_space<hbm>> -> memref<128x48xf32, #tpu.memory_space<hbm>>
      %dma_start3A_61 = arith.constant 0 : i32
      %dma_start3A_62 = tpu.memref_slice %arg3[%mul3A_58, %dma_start3A_61] : memref<160000x128xf32, #tpu.memory_space<hbm>> -> memref<128x48xf32, #tpu.memory_space<hbm>>
      tpu.enqueue_dma source(%dma_start3A_62 : memref<128x48xf32, #tpu.memory_space<hbm>>) target(%arg9 : memref<128x48xf32, #tpu.memory_space<vmem>>) target_semaphore(%arg16 : memref<!tpu.dma_semaphore, #tpu.memory_space<semaphore_mem>>)
    } else {
    }
    %add3A_6 = arith.constant 16 : i32
    %add3A_7 = arith.addi %arg1, %add3A_6 : i32
    %lt3A_8 = arith.constant 1250 : i32
    %lt3A_9 = arith.cmpi slt, %add3A_7, %lt3A_8 : i32
    %convert_element_type3A_10 = arith.extui %lt3A_9 : i1 to i32
    %cond3A_11 = arith.constant 0 : i32
    %cond3A_12 = arith.cmpi ne, %convert_element_type3A_10, %cond3A_11 : i32
    scf.if %cond3A_12 {
      %dma_start3A = arith.constant 0 : i32
      %dma_start3A_52 = tpu.memref_slice %arg2[%add3A_7, %dma_start3A] : memref<1250x128xi32, #tpu.memory_space<hbm>> -> memref<1x128xi32, #tpu.memory_space<hbm>>
      %dma_start3A_53 = tpu.memref_squeeze %dma_start3A_52 : memref<1x128xi32, #tpu.memory_space<hbm>> -> memref<128xi32, #tpu.memory_space<hbm>>
      %dma_start3A_54 = arith.constant 0 : i32
      %dma_start3A_55 = tpu.memref_slice %arg2[%add3A_7, %dma_start3A_54] : memref<1250x128xi32, #tpu.memory_space<hbm>> -> memref<1x128xi32, #tpu.memory_space<hbm>>
      %dma_start3A_56 = tpu.memref_squeeze %dma_start3A_55 : memref<1x128xi32, #tpu.memory_space<hbm>> -> memref<128xi32, #tpu.memory_space<hbm>>
      tpu.enqueue_dma source(%dma_start3A_56 : memref<128xi32, #tpu.memory_space<hbm>>) target(%arg7 : memref<128xi32, #tpu.memory_space<vmem>>) target_semaphore(%arg14 : memref<!tpu.dma_semaphore, #tpu.memory_space<semaphore_mem>>)
      %mul3A_57 = arith.constant 128 : i32
      %mul3A_58 = arith.muli %add3A_7, %mul3A_57 : i32
      %dma_start3A_59 = arith.constant 0 : i32
      %dma_start3A_60 = tpu.memref_slice %arg3[%mul3A_58, %dma_start3A_59] : memref<160000x128xf32, #tpu.memory_space<hbm>> -> memref<128x48xf32, #tpu.memory_space<hbm>>
      %dma_start3A_61 = arith.constant 0 : i32
      %dma_start3A_62 = tpu.memref_slice %arg3[%mul3A_58, %dma_start3A_61] : memref<160000x128xf32, #tpu.memory_space<hbm>> -> memref<128x48xf32, #tpu.memory_space<hbm>>
      tpu.enqueue_dma source(%dma_start3A_62 : memref<128x48xf32, #tpu.memory_space<hbm>>) target(%arg10 : memref<128x48xf32, #tpu.memory_space<vmem>>) target_semaphore(%arg17 : memref<!tpu.dma_semaphore, #tpu.memory_space<semaphore_mem>>)
    } else {
    }
    %scan3A = arith.constant 0 : i32
    %scan3A_13 = arith.constant 0 : i32
    %scan3A_14 = arith.constant 27 : i32
    %scan3A_15 = arith.addi %scan3A_13, %scan3A_14 : i32
    %scan3A_16 = arith.constant 1 : i32
    scf.for %scan3A_52 = %scan3A_13 to %scan3A_15 step %scan3A_16  : i32 {
      %mul3A_53 = arith.constant 3 : i32
      %mul3A_54 = arith.muli %mul3A_53, %scan3A_52 : i32
      %mul3A_55 = arith.constant 16 : i32
      %mul3A_56 = arith.muli %mul3A_54, %mul3A_55 : i32
      %add3A_57 = arith.addi %arg1, %mul3A_56 : i32
      %lt3A_58 = arith.constant 1250 : i32
      %lt3A_59 = arith.cmpi slt, %add3A_57, %lt3A_58 : i32
      %convert_element_type3A_60 = arith.extui %lt3A_59 : i1 to i32
      %cond3A_61 = arith.constant 0 : i32
      %cond3A_62 = arith.cmpi ne, %convert_element_type3A_60, %cond3A_61 : i32
      scf.if %cond3A_62 {
        %dma_wait3A = arith.constant 0 : i32
        %dma_wait3A_164 = tpu.memref_slice %arg2[%add3A_57, %dma_wait3A] : memref<1250x128xi32, #tpu.memory_space<hbm>> -> memref<1x128xi32, #tpu.memory_space<hbm>>
        %dma_wait3A_165 = tpu.memref_squeeze %dma_wait3A_164 : memref<1x128xi32, #tpu.memory_space<hbm>> -> memref<128xi32, #tpu.memory_space<hbm>>
        %dma_wait3A_166 = arith.constant 0 : i32
        %dma_wait3A_167 = tpu.memref_slice %arg2[%add3A_57, %dma_wait3A_166] : memref<1250x128xi32, #tpu.memory_space<hbm>> -> memref<1x128xi32, #tpu.memory_space<hbm>>
        %dma_wait3A_168 = tpu.memref_squeeze %dma_wait3A_167 : memref<1x128xi32, #tpu.memory_space<hbm>> -> memref<128xi32, #tpu.memory_space<hbm>>
        tpu.wait_dma2 semaphore(%arg13 : memref<!tpu.dma_semaphore, #tpu.memory_space<semaphore_mem>>) src(%dma_wait3A_168 : memref<128xi32, #tpu.memory_space<hbm>>) dst(%arg6 : memref<128xi32, #tpu.memory_space<vmem>>)
        %mul3A_169 = arith.constant 128 : i32
        %mul3A_170 = arith.muli %add3A_57, %mul3A_169 : i32
        %dma_wait3A_171 = arith.constant 0 : i32
        %dma_wait3A_172 = tpu.memref_slice %arg3[%mul3A_170, %dma_wait3A_171] : memref<160000x128xf32, #tpu.memory_space<hbm>> -> memref<128x48xf32, #tpu.memory_space<hbm>>
        %dma_wait3A_173 = arith.constant 0 : i32
        %dma_wait3A_174 = tpu.memref_slice %arg3[%mul3A_170, %dma_wait3A_173] : memref<160000x128xf32, #tpu.memory_space<hbm>> -> memref<128x48xf32, #tpu.memory_space<hbm>>
        tpu.wait_dma2 semaphore(%arg16 : memref<!tpu.dma_semaphore, #tpu.memory_space<semaphore_mem>>) src(%dma_wait3A_174 : memref<128x48xf32, #tpu.memory_space<hbm>>) dst(%arg9 : memref<128x48xf32, #tpu.memory_space<vmem>>)
        %get3A = arith.constant 0 : index
        %get3A_175 = tpu.vector_load %arg6[%get3A] {strides = array<i32>} : memref<128xi32, #tpu.memory_space<vmem>>, vector<16xi32>,
        %get3A_176 = vector.shape_cast %get3A_175 : vector<16xi32> to vector<16xi32>
        %sub3A_177 = vector.broadcast %mul3A_0 : i32 to vector<16xi32>
        %sub3A_178 = arith.subi %get3A_176, %sub3A_177 : vector<16xi32>
        %ge3A_179 = arith.constant 0 : i32
        %ge3A_180 = vector.broadcast %ge3A_179 : i32 to vector<16xi32>
        %ge3A_181 = arith.cmpi sge, %sub3A_178, %ge3A_180 : vector<16xi32>
        %lt3A_182 = arith.constant 5120 : i32
        %lt3A_183 = vector.broadcast %lt3A_182 : i32 to vector<16xi32>
        %lt3A_184 = arith.cmpi slt, %sub3A_178, %lt3A_183 : vector<16xi32>
        %and3A_185 = arith.andi %ge3A_181, %lt3A_184 : vector<16xi1>
        %jit3A = arith.constant 5120 : i32
        %broadcast_in_dim3A = vector.broadcast %jit3A : i32 to vector<16xi32>
        %select_n3A = arith.select %and3A_185, %sub3A_178, %broadcast_in_dim3A : vector<16xi1>, vector<16xi32>
        %swap3A = arith.constant 0 : index
        %swap3A_186 = tpu.vector_load %arg6[%swap3A] {strides = array<i32>} : memref<128xi32, #tpu.memory_space<vmem>>, vector<16xi32>,
        %swap3A_187 = vector.shape_cast %swap3A_186 : vector<16xi32> to vector<16xi32>
        %swap3A_188 = vector.shape_cast %select_n3A : vector<16xi32> to vector<16xi32>
        tpu.vector_store %arg6[%swap3A], %swap3A_188 {strides = array<i32>} : memref<128xi32, #tpu.memory_space<vmem>>, vector<16xi32>,
        %get3A_189 = arith.constant 16 : index
        %get3A_190 = tpu.vector_load %arg6[%get3A_189] {strides = array<i32>} : memref<128xi32, #tpu.memory_space<vmem>>, vector<16xi32>,
        %get3A_191 = vector.shape_cast %get3A_190 : vector<16xi32> to vector<16xi32>
        %sub3A_192 = vector.broadcast %mul3A_0 : i32 to vector<16xi32>
        %sub3A_193 = arith.subi %get3A_191, %sub3A_192 : vector<16xi32>
        %ge3A_194 = arith.constant 0 : i32
        %ge3A_195 = vector.broadcast %ge3A_194 : i32 to vector<16xi32>
        %ge3A_196 = arith.cmpi sge, %sub3A_193, %ge3A_195 : vector<16xi32>
        %lt3A_197 = arith.constant 5120 : i32
        %lt3A_198 = vector.broadcast %lt3A_197 : i32 to vector<16xi32>
        %lt3A_199 = arith.cmpi slt, %sub3A_193, %lt3A_198 : vector<16xi32>
        %and3A_200 = arith.andi %ge3A_196, %lt3A_199 : vector<16xi1>
        %jit3A_201 = arith.constant 5120 : i32
        %broadcast_in_dim3A_202 = vector.broadcast %jit3A_201 : i32 to vector<16xi32>
        %select_n3A_203 = arith.select %and3A_200, %sub3A_193, %broadcast_in_dim3A_202 : vector<16xi1>, vector<16xi32>
        %swap3A_204 = arith.constant 16 : index
        %swap3A_205 = tpu.vector_load %arg6[%swap3A_204] {strides = array<i32>} : memref<128xi32, #tpu.memory_space<vmem>>, vector<16xi32>,
        %swap3A_206 = vector.shape_cast %swap3A_205 : vector<16xi32> to vector<16xi32>
        %swap3A_207 = vector.shape_cast %select_n3A_203 : vector<16xi32> to vector<16xi32>
        tpu.vector_store %arg6[%swap3A_204], %swap3A_207 {strides = array<i32>} : memref<128xi32, #tpu.memory_space<vmem>>, vector<16xi32>,
        %get3A_208 = arith.constant 32 : index
        %get3A_209 = tpu.vector_load %arg6[%get3A_208] {strides = array<i32>} : memref<128xi32, #tpu.memory_space<vmem>>, vector<16xi32>,
        %get3A_210 = vector.shape_cast %get3A_209 : vector<16xi32> to vector<16xi32>
        %sub3A_211 = vector.broadcast %mul3A_0 : i32 to vector<16xi32>
        %sub3A_212 = arith.subi %get3A_210, %sub3A_211 : vector<16xi32>
        %ge3A_213 = arith.constant 0 : i32
        %ge3A_214 = vector.broadcast %ge3A_213 : i32 to vector<16xi32>
        %ge3A_215 = arith.cmpi sge, %sub3A_212, %ge3A_214 : vector<16xi32>
        %lt3A_216 = arith.constant 5120 : i32
        %lt3A_217 = vector.broadcast %lt3A_216 : i32 to vector<16xi32>
        %lt3A_218 = arith.cmpi slt, %sub3A_212, %lt3A_217 : vector<16xi32>
        %and3A_219 = arith.andi %ge3A_215, %lt3A_218 : vector<16xi1>
        %jit3A_220 = arith.constant 5120 : i32
        %broadcast_in_dim3A_221 = vector.broadcast %jit3A_220 : i32 to vector<16xi32>
        %select_n3A_222 = arith.select %and3A_219, %sub3A_212, %broadcast_in_dim3A_221 : vector<16xi1>, vector<16xi32>
        %swap3A_223 = arith.constant 32 : index
        %swap3A_224 = tpu.vector_load %arg6[%swap3A_223] {strides = array<i32>} : memref<128xi32, #tpu.memory_space<vmem>>, vector<16xi32>,
        %swap3A_225 = vector.shape_cast %swap3A_224 : vector<16xi32> to vector<16xi32>
        %swap3A_226 = vector.shape_cast %select_n3A_222 : vector<16xi32> to vector<16xi32>
        tpu.vector_store %arg6[%swap3A_223], %swap3A_226 {strides = array<i32>} : memref<128xi32, #tpu.memory_space<vmem>>, vector<16xi32>,
        %get3A_227 = arith.constant 48 : index
        %get3A_228 = tpu.vector_load %arg6[%get3A_227] {strides = array<i32>} : memref<128xi32, #tpu.memory_space<vmem>>, vector<16xi32>,
        %get3A_229 = vector.shape_cast %get3A_228 : vector<16xi32> to vector<16xi32>
        %sub3A_230 = vector.broadcast %mul3A_0 : i32 to vector<16xi32>
        %sub3A_231 = arith.subi %get3A_229, %sub3A_230 : vector<16xi32>
        %ge3A_232 = arith.constant 0 : i32
        %ge3A_233 = vector.broadcast %ge3A_232 : i32 to vector<16xi32>
        %ge3A_234 = arith.cmpi sge, %sub3A_231, %ge3A_233 : vector<16xi32>
        %lt3A_235 = arith.constant 5120 : i32
        %lt3A_236 = vector.broadcast %lt3A_235 : i32 to vector<16xi32>
        %lt3A_237 = arith.cmpi slt, %sub3A_231, %lt3A_236 : vector<16xi32>
        %and3A_238 = arith.andi %ge3A_234, %lt3A_237 : vector<16xi1>
        %jit3A_239 = arith.constant 5120 : i32
        %broadcast_in_dim3A_240 = vector.broadcast %jit3A_239 : i32 to vector<16xi32>
        %select_n3A_241 = arith.select %and3A_238, %sub3A_231, %broadcast_in_dim3A_240 : vector<16xi1>, vector<16xi32>
        %swap3A_242 = arith.constant 48 : index
        %swap3A_243 = tpu.vector_load %arg6[%swap3A_242] {strides = array<i32>} : memref<128xi32, #tpu.memory_space<vmem>>, vector<16xi32>,
        %swap3A_244 = vector.shape_cast %swap3A_243 : vector<16xi32> to vector<16xi32>
        %swap3A_245 = vector.shape_cast %select_n3A_241 : vector<16xi32> to vector<16xi32>
        tpu.vector_store %arg6[%swap3A_242], %swap3A_245 {strides = array<i32>} : memref<128xi32, #tpu.memory_space<vmem>>, vector<16xi32>,
        %get3A_246 = arith.constant 64 : index
        %get3A_247 = tpu.vector_load %arg6[%get3A_246] {strides = array<i32>} : memref<128xi32, #tpu.memory_space<vmem>>, vector<16xi32>,
        %get3A_248 = vector.shape_cast %get3A_247 : vector<16xi32> to vector<16xi32>
        %sub3A_249 = vector.broadcast %mul3A_0 : i32 to vector<16xi32>
        %sub3A_250 = arith.subi %get3A_248, %sub3A_249 : vector<16xi32>
        %ge3A_251 = arith.constant 0 : i32
        %ge3A_252 = vector.broadcast %ge3A_251 : i32 to vector<16xi32>
        %ge3A_253 = arith.cmpi sge, %sub3A_250, %ge3A_252 : vector<16xi32>
        %lt3A_254 = arith.constant 5120 : i32
        %lt3A_255 = vector.broadcast %lt3A_254 : i32 to vector<16xi32>
        %lt3A_256 = arith.cmpi slt, %sub3A_250, %lt3A_255 : vector<16xi32>
        %and3A_257 = arith.andi %ge3A_253, %lt3A_256 : vector<16xi1>
        %jit3A_258 = arith.constant 5120 : i32
        %broadcast_in_dim3A_259 = vector.broadcast %jit3A_258 : i32 to vector<16xi32>
        %select_n3A_260 = arith.select %and3A_257, %sub3A_250, %broadcast_in_dim3A_259 : vector<16xi1>, vector<16xi32>
        %swap3A_261 = arith.constant 64 : index
        %swap3A_262 = tpu.vector_load %arg6[%swap3A_261] {strides = array<i32>} : memref<128xi32, #tpu.memory_space<vmem>>, vector<16xi32>,
        %swap3A_263 = vector.shape_cast %swap3A_262 : vector<16xi32> to vector<16xi32>
        %swap3A_264 = vector.shape_cast %select_n3A_260 : vector<16xi32> to vector<16xi32>
        tpu.vector_store %arg6[%swap3A_261], %swap3A_264 {strides = array<i32>} : memref<128xi32, #tpu.memory_space<vmem>>, vector<16xi32>,
        %get3A_265 = arith.constant 80 : index
        %get3A_266 = tpu.vector_load %arg6[%get3A_265] {strides = array<i32>} : memref<128xi32, #tpu.memory_space<vmem>>, vector<16xi32>,
        %get3A_267 = vector.shape_cast %get3A_266 : vector<16xi32> to vector<16xi32>
        %sub3A_268 = vector.broadcast %mul3A_0 : i32 to vector<16xi32>
        %sub3A_269 = arith.subi %get3A_267, %sub3A_268 : vector<16xi32>
        %ge3A_270 = arith.constant 0 : i32
        %ge3A_271 = vector.broadcast %ge3A_270 : i32 to vector<16xi32>
        %ge3A_272 = arith.cmpi sge, %sub3A_269, %ge3A_271 : vector<16xi32>
        %lt3A_273 = arith.constant 5120 : i32
        %lt3A_274 = vector.broadcast %lt3A_273 : i32 to vector<16xi32>
        %lt3A_275 = arith.cmpi slt, %sub3A_269, %lt3A_274 : vector<16xi32>
        %and3A_276 = arith.andi %ge3A_272, %lt3A_275 : vector<16xi1>
        %jit3A_277 = arith.constant 5120 : i32
        %broadcast_in_dim3A_278 = vector.broadcast %jit3A_277 : i32 to vector<16xi32>
        %select_n3A_279 = arith.select %and3A_276, %sub3A_269, %broadcast_in_dim3A_278 : vector<16xi1>, vector<16xi32>
        %swap3A_280 = arith.constant 80 : index
        %swap3A_281 = tpu.vector_load %arg6[%swap3A_280] {strides = array<i32>} : memref<128xi32, #tpu.memory_space<vmem>>, vector<16xi32>,
        %swap3A_282 = vector.shape_cast %swap3A_281 : vector<16xi32> to vector<16xi32>
        %swap3A_283 = vector.shape_cast %select_n3A_279 : vector<16xi32> to vector<16xi32>
        tpu.vector_store %arg6[%swap3A_280], %swap3A_283 {strides = array<i32>} : memref<128xi32, #tpu.memory_space<vmem>>, vector<16xi32>,
        %get3A_284 = arith.constant 96 : index
        %get3A_285 = tpu.vector_load %arg6[%get3A_284] {strides = array<i32>} : memref<128xi32, #tpu.memory_space<vmem>>, vector<16xi32>,
        %get3A_286 = vector.shape_cast %get3A_285 : vector<16xi32> to vector<16xi32>
        %sub3A_287 = vector.broadcast %mul3A_0 : i32 to vector<16xi32>
        %sub3A_288 = arith.subi %get3A_286, %sub3A_287 : vector<16xi32>
        %ge3A_289 = arith.constant 0 : i32
        %ge3A_290 = vector.broadcast %ge3A_289 : i32 to vector<16xi32>
        %ge3A_291 = arith.cmpi sge, %sub3A_288, %ge3A_290 : vector<16xi32>
        %lt3A_292 = arith.constant 5120 : i32
        %lt3A_293 = vector.broadcast %lt3A_292 : i32 to vector<16xi32>
        %lt3A_294 = arith.cmpi slt, %sub3A_288, %lt3A_293 : vector<16xi32>
        %and3A_295 = arith.andi %ge3A_291, %lt3A_294 : vector<16xi1>
        %jit3A_296 = arith.constant 5120 : i32
        %broadcast_in_dim3A_297 = vector.broadcast %jit3A_296 : i32 to vector<16xi32>
        %select_n3A_298 = arith.select %and3A_295, %sub3A_288, %broadcast_in_dim3A_297 : vector<16xi1>, vector<16xi32>
        %swap3A_299 = arith.constant 96 : index
        %swap3A_300 = tpu.vector_load %arg6[%swap3A_299] {strides = array<i32>} : memref<128xi32, #tpu.memory_space<vmem>>, vector<16xi32>,
        %swap3A_301 = vector.shape_cast %swap3A_300 : vector<16xi32> to vector<16xi32>
        %swap3A_302 = vector.shape_cast %select_n3A_298 : vector<16xi32> to vector<16xi32>
        tpu.vector_store %arg6[%swap3A_299], %swap3A_302 {strides = array<i32>} : memref<128xi32, #tpu.memory_space<vmem>>, vector<16xi32>,
        %get3A_303 = arith.constant 112 : index
        %get3A_304 = tpu.vector_load %arg6[%get3A_303] {strides = array<i32>} : memref<128xi32, #tpu.memory_space<vmem>>, vector<16xi32>,
        %get3A_305 = vector.shape_cast %get3A_304 : vector<16xi32> to vector<16xi32>
        %sub3A_306 = vector.broadcast %mul3A_0 : i32 to vector<16xi32>
        %sub3A_307 = arith.subi %get3A_305, %sub3A_306 : vector<16xi32>
        %ge3A_308 = arith.constant 0 : i32
        %ge3A_309 = vector.broadcast %ge3A_308 : i32 to vector<16xi32>
        %ge3A_310 = arith.cmpi sge, %sub3A_307, %ge3A_309 : vector<16xi32>
        %lt3A_311 = arith.constant 5120 : i32
        %lt3A_312 = vector.broadcast %lt3A_311 : i32 to vector<16xi32>
        %lt3A_313 = arith.cmpi slt, %sub3A_307, %lt3A_312 : vector<16xi32>
        %and3A_314 = arith.andi %ge3A_310, %lt3A_313 : vector<16xi1>
        %jit3A_315 = arith.constant 5120 : i32
        %broadcast_in_dim3A_316 = vector.broadcast %jit3A_315 : i32 to vector<16xi32>
        %select_n3A_317 = arith.select %and3A_314, %sub3A_307, %broadcast_in_dim3A_316 : vector<16xi1>, vector<16xi32>
        %swap3A_318 = arith.constant 112 : index
        %swap3A_319 = tpu.vector_load %arg6[%swap3A_318] {strides = array<i32>} : memref<128xi32, #tpu.memory_space<vmem>>, vector<16xi32>,
        %swap3A_320 = vector.shape_cast %swap3A_319 : vector<16xi32> to vector<16xi32>
        %swap3A_321 = vector.shape_cast %select_n3A_317 : vector<16xi32> to vector<16xi32>
        tpu.vector_store %arg6[%swap3A_318], %swap3A_321 {strides = array<i32>} : memref<128xi32, #tpu.memory_space<vmem>>, vector<16xi32>,
        %dma_start3A = arith.constant 0 : i32
        %dma_start3A_322 = arith.constant 0 : i32
        %dma_start3A_323 = tpu.memref_slice %arg12[%dma_start3A, %dma_start3A_322] : memref<5248x48xf32, #tpu.memory_space<vmem_shared>> -> memref<5248x48xf32, #tpu.memory_space<vmem_shared>>
        tpu.enqueue_indirect_dma source(%arg9 : memref<128x48xf32, #tpu.memory_space<vmem>>) target(%dma_start3A_323 : memref<5248x48xf32, #tpu.memory_space<vmem_shared>>) offsets(%arg6 : memref<128xi32, #tpu.memory_space<vmem>>) semaphore(%arg19 : memref<!tpu.dma_semaphore, #tpu.memory_space<semaphore_mem>>) {add = true}
      } else {
      }
      %mul3A_63 = arith.constant 3 : i32
      %mul3A_64 = arith.muli %mul3A_63, %scan3A_52 : i32
      %sub3A = arith.constant 1 : i32
      %sub3A_65 = arith.subi %mul3A_64, %sub3A : i32
      %ge3A = arith.constant 0 : i32
      %ge3A_66 = arith.cmpi sge, %sub3A_65, %ge3A : i32
      %mul3A_67 = arith.constant 16 : i32
      %mul3A_68 = arith.muli %sub3A_65, %mul3A_67 : i32
      %add3A_69 = arith.addi %arg1, %mul3A_68 : i32
      %lt3A_70 = arith.constant 1250 : i32
      %lt3A_71 = arith.cmpi slt, %add3A_69, %lt3A_70 : i32
      %and3A_72 = arith.andi %ge3A_66, %lt3A_71 : i1
      %convert_element_type3A_73 = arith.extui %and3A_72 : i1 to i32
      %cond3A_74 = arith.constant 0 : i32
      %cond3A_75 = arith.cmpi ne, %convert_element_type3A_73, %cond3A_74 : i32
      scf.if %cond3A_75 {
        %dma_wait3A = arith.constant 0 : i32
        %dma_wait3A_164 = arith.constant 0 : i32
        %dma_wait3A_165 = tpu.memref_slice %arg12[%dma_wait3A, %dma_wait3A_164] : memref<5248x48xf32, #tpu.memory_space<vmem_shared>> -> memref<128x48xf32, #tpu.memory_space<vmem_shared>>
        %dma_wait3A_166 = arith.constant 0 : i32
        %dma_wait3A_167 = arith.constant 0 : i32
        %dma_wait3A_168 = tpu.memref_slice %arg12[%dma_wait3A_166, %dma_wait3A_167] : memref<5248x48xf32, #tpu.memory_space<vmem_shared>> -> memref<128x48xf32, #tpu.memory_space<vmem_shared>>
        tpu.wait_dma2 semaphore(%arg21 : memref<!tpu.dma_semaphore, #tpu.memory_space<semaphore_mem>>) src(%arg11 : memref<128x48xf32, #tpu.memory_space<vmem>>) dst(%dma_wait3A_168 : memref<128x48xf32, #tpu.memory_space<vmem_shared>>)
      } else {
      }
      %mul3A_76 = arith.constant 3 : i32
      %mul3A_77 = arith.muli %mul3A_76, %scan3A_52 : i32
      %add3A_78 = arith.constant 2 : i32
      %add3A_79 = arith.addi %mul3A_77, %add3A_78 : i32
      %mul3A_80 = arith.constant 16 : i32
      %mul3A_81 = arith.muli %add3A_79, %mul3A_80 : i32
      %add3A_82 = arith.addi %arg1, %mul3A_81 : i32
      %lt3A_83 = arith.constant 1250 : i32
      %lt3A_84 = arith.cmpi slt, %add3A_82, %lt3A_83 : i32
      %convert_element_type3A_85 = arith.extui %lt3A_84 : i1 to i32
      %cond3A_86 = arith.constant 0 : i32
      %cond3A_87 = arith.cmpi ne, %convert_element_type3A_85, %cond3A_86 : i32
      scf.if %cond3A_87 {
        %dma_start3A = arith.constant 0 : i32
        %dma_start3A_164 = tpu.memref_slice %arg2[%add3A_82, %dma_start3A] : memref<1250x128xi32, #tpu.memory_space<hbm>> -> memref<1x128xi32, #tpu.memory_space<hbm>>
        %dma_start3A_165 = tpu.memref_squeeze %dma_start3A_164 : memref<1x128xi32, #tpu.memory_space<hbm>> -> memref<128xi32, #tpu.memory_space<hbm>>
        %dma_start3A_166 = arith.constant 0 : i32
        %dma_start3A_167 = tpu.memref_slice %arg2[%add3A_82, %dma_start3A_166] : memref<1250x128xi32, #tpu.memory_space<hbm>> -> memref<1x128xi32, #tpu.memory_space<hbm>>
        %dma_start3A_168 = tpu.memref_squeeze %dma_start3A_167 : memref<1x128xi32, #tpu.memory_space<hbm>> -> memref<128xi32, #tpu.memory_space<hbm>>
        tpu.enqueue_dma source(%dma_start3A_168 : memref<128xi32, #tpu.memory_space<hbm>>) target(%arg8 : memref<128xi32, #tpu.memory_space<vmem>>) target_semaphore(%arg15 : memref<!tpu.dma_semaphore, #tpu.memory_space<semaphore_mem>>)
        %mul3A_169 = arith.constant 128 : i32
        %mul3A_170 = arith.muli %add3A_82, %mul3A_169 : i32
        %dma_start3A_171 = arith.constant 0 : i32
        %dma_start3A_172 = tpu.memref_slice %arg3[%mul3A_170, %dma_start3A_171] : memref<160000x128xf32, #tpu.memory_space<hbm>> -> memref<128x48xf32, #tpu.memory_space<hbm>>
        %dma_start3A_173 = arith.constant 0 : i32
        %dma_start3A_174 = tpu.memref_slice %arg3[%mul3A_170, %dma_start3A_173] : memref<160000x128xf32, #tpu.memory_space<hbm>> -> memref<128x48xf32, #tpu.memory_space<hbm>>
        tpu.enqueue_dma source(%dma_start3A_174 : memref<128x48xf32, #tpu.memory_space<hbm>>) target(%arg11 : memref<128x48xf32, #tpu.memory_space<vmem>>) target_semaphore(%arg18 : memref<!tpu.dma_semaphore, #tpu.memory_space<semaphore_mem>>)
      } else {
      }
      %mul3A_88 = arith.constant 3 : i32
      %mul3A_89 = arith.muli %mul3A_88, %scan3A_52 : i32
      %add3A_90 = arith.constant 1 : i32
      %add3A_91 = arith.addi %mul3A_89, %add3A_90 : i32
      %mul3A_92 = arith.constant 16 : i32
      %mul3A_93 = arith.muli %add3A_91, %mul3A_92 : i32
      %add3A_94 = arith.addi %arg1, %mul3A_93 : i32
      %lt3A_95 = arith.constant 1250 : i32
      %lt3A_96 = arith.cmpi slt, %add3A_94, %lt3A_95 : i32
      %convert_element_type3A_97 = arith.extui %lt3A_96 : i1 to i32
      %cond3A_98 = arith.constant 0 : i32
      %cond3A_99 = arith.cmpi ne, %convert_element_type3A_97, %cond3A_98 : i32
      scf.if %cond3A_99 {
        %dma_wait3A = arith.constant 0 : i32
        %dma_wait3A_164 = tpu.memref_slice %arg2[%add3A_94, %dma_wait3A] : memref<1250x128xi32, #tpu.memory_space<hbm>> -> memref<1x128xi32, #tpu.memory_space<hbm>>
        %dma_wait3A_165 = tpu.memref_squeeze %dma_wait3A_164 : memref<1x128xi32, #tpu.memory_space<hbm>> -> memref<128xi32, #tpu.memory_space<hbm>>
        %dma_wait3A_166 = arith.constant 0 : i32
        %dma_wait3A_167 = tpu.memref_slice %arg2[%add3A_94, %dma_wait3A_166] : memref<1250x128xi32, #tpu.memory_space<hbm>> -> memref<1x128xi32, #tpu.memory_space<hbm>>
        %dma_wait3A_168 = tpu.memref_squeeze %dma_wait3A_167 : memref<1x128xi32, #tpu.memory_space<hbm>> -> memref<128xi32, #tpu.memory_space<hbm>>
        tpu.wait_dma2 semaphore(%arg14 : memref<!tpu.dma_semaphore, #tpu.memory_space<semaphore_mem>>) src(%dma_wait3A_168 : memref<128xi32, #tpu.memory_space<hbm>>) dst(%arg7 : memref<128xi32, #tpu.memory_space<vmem>>)
        %mul3A_169 = arith.constant 128 : i32
        %mul3A_170 = arith.muli %add3A_94, %mul3A_169 : i32
        %dma_wait3A_171 = arith.constant 0 : i32
        %dma_wait3A_172 = tpu.memref_slice %arg3[%mul3A_170, %dma_wait3A_171] : memref<160000x128xf32, #tpu.memory_space<hbm>> -> memref<128x48xf32, #tpu.memory_space<hbm>>
        %dma_wait3A_173 = arith.constant 0 : i32
        %dma_wait3A_174 = tpu.memref_slice %arg3[%mul3A_170, %dma_wait3A_173] : memref<160000x128xf32, #tpu.memory_space<hbm>> -> memref<128x48xf32, #tpu.memory_space<hbm>>
        tpu.wait_dma2 semaphore(%arg17 : memref<!tpu.dma_semaphore, #tpu.memory_space<semaphore_mem>>) src(%dma_wait3A_174 : memref<128x48xf32, #tpu.memory_space<hbm>>) dst(%arg10 : memref<128x48xf32, #tpu.memory_space<vmem>>)
        %get3A = arith.constant 0 : index
        %get3A_175 = tpu.vector_load %arg7[%get3A] {strides = array<i32>} : memref<128xi32, #tpu.memory_space<vmem>>, vector<16xi32>,
        %get3A_176 = vector.shape_cast %get3A_175 : vector<16xi32> to vector<16xi32>
        %sub3A_177 = vector.broadcast %mul3A_0 : i32 to vector<16xi32>
        %sub3A_178 = arith.subi %get3A_176, %sub3A_177 : vector<16xi32>
        %ge3A_179 = arith.constant 0 : i32
        %ge3A_180 = vector.broadcast %ge3A_179 : i32 to vector<16xi32>
        %ge3A_181 = arith.cmpi sge, %sub3A_178, %ge3A_180 : vector<16xi32>
        %lt3A_182 = arith.constant 5120 : i32
        %lt3A_183 = vector.broadcast %lt3A_182 : i32 to vector<16xi32>
        %lt3A_184 = arith.cmpi slt, %sub3A_178, %lt3A_183 : vector<16xi32>
        %and3A_185 = arith.andi %ge3A_181, %lt3A_184 : vector<16xi1>
        %jit3A = arith.constant 5120 : i32
        %broadcast_in_dim3A = vector.broadcast %jit3A : i32 to vector<16xi32>
        %select_n3A = arith.select %and3A_185, %sub3A_178, %broadcast_in_dim3A : vector<16xi1>, vector<16xi32>
        %swap3A = arith.constant 0 : index
        %swap3A_186 = tpu.vector_load %arg7[%swap3A] {strides = array<i32>} : memref<128xi32, #tpu.memory_space<vmem>>, vector<16xi32>,
        %swap3A_187 = vector.shape_cast %swap3A_186 : vector<16xi32> to vector<16xi32>
        %swap3A_188 = vector.shape_cast %select_n3A : vector<16xi32> to vector<16xi32>
        tpu.vector_store %arg7[%swap3A], %swap3A_188 {strides = array<i32>} : memref<128xi32, #tpu.memory_space<vmem>>, vector<16xi32>,
        %get3A_189 = arith.constant 16 : index
        %get3A_190 = tpu.vector_load %arg7[%get3A_189] {strides = array<i32>} : memref<128xi32, #tpu.memory_space<vmem>>, vector<16xi32>,
        %get3A_191 = vector.shape_cast %get3A_190 : vector<16xi32> to vector<16xi32>
        %sub3A_192 = vector.broadcast %mul3A_0 : i32 to vector<16xi32>
        %sub3A_193 = arith.subi %get3A_191, %sub3A_192 : vector<16xi32>
        %ge3A_194 = arith.constant 0 : i32
        %ge3A_195 = vector.broadcast %ge3A_194 : i32 to vector<16xi32>
        %ge3A_196 = arith.cmpi sge, %sub3A_193, %ge3A_195 : vector<16xi32>
        %lt3A_197 = arith.constant 5120 : i32
        %lt3A_198 = vector.broadcast %lt3A_197 : i32 to vector<16xi32>
        %lt3A_199 = arith.cmpi slt, %sub3A_193, %lt3A_198 : vector<16xi32>
        %and3A_200 = arith.andi %ge3A_196, %lt3A_199 : vector<16xi1>
        %jit3A_201 = arith.constant 5120 : i32
        %broadcast_in_dim3A_202 = vector.broadcast %jit3A_201 : i32 to vector<16xi32>
        %select_n3A_203 = arith.select %and3A_200, %sub3A_193, %broadcast_in_dim3A_202 : vector<16xi1>, vector<16xi32>
        %swap3A_204 = arith.constant 16 : index
        %swap3A_205 = tpu.vector_load %arg7[%swap3A_204] {strides = array<i32>} : memref<128xi32, #tpu.memory_space<vmem>>, vector<16xi32>,
        %swap3A_206 = vector.shape_cast %swap3A_205 : vector<16xi32> to vector<16xi32>
        %swap3A_207 = vector.shape_cast %select_n3A_203 : vector<16xi32> to vector<16xi32>
        tpu.vector_store %arg7[%swap3A_204], %swap3A_207 {strides = array<i32>} : memref<128xi32, #tpu.memory_space<vmem>>, vector<16xi32>,
        %get3A_208 = arith.constant 32 : index
        %get3A_209 = tpu.vector_load %arg7[%get3A_208] {strides = array<i32>} : memref<128xi32, #tpu.memory_space<vmem>>, vector<16xi32>,
        %get3A_210 = vector.shape_cast %get3A_209 : vector<16xi32> to vector<16xi32>
        %sub3A_211 = vector.broadcast %mul3A_0 : i32 to vector<16xi32>
        %sub3A_212 = arith.subi %get3A_210, %sub3A_211 : vector<16xi32>
        %ge3A_213 = arith.constant 0 : i32
        %ge3A_214 = vector.broadcast %ge3A_213 : i32 to vector<16xi32>
        %ge3A_215 = arith.cmpi sge, %sub3A_212, %ge3A_214 : vector<16xi32>
        %lt3A_216 = arith.constant 5120 : i32
        %lt3A_217 = vector.broadcast %lt3A_216 : i32 to vector<16xi32>
        %lt3A_218 = arith.cmpi slt, %sub3A_212, %lt3A_217 : vector<16xi32>
        %and3A_219 = arith.andi %ge3A_215, %lt3A_218 : vector<16xi1>
        %jit3A_220 = arith.constant 5120 : i32
        %broadcast_in_dim3A_221 = vector.broadcast %jit3A_220 : i32 to vector<16xi32>
        %select_n3A_222 = arith.select %and3A_219, %sub3A_212, %broadcast_in_dim3A_221 : vector<16xi1>, vector<16xi32>
        %swap3A_223 = arith.constant 32 : index
        %swap3A_224 = tpu.vector_load %arg7[%swap3A_223] {strides = array<i32>} : memref<128xi32, #tpu.memory_space<vmem>>, vector<16xi32>,
        %swap3A_225 = vector.shape_cast %swap3A_224 : vector<16xi32> to vector<16xi32>
        %swap3A_226 = vector.shape_cast %select_n3A_222 : vector<16xi32> to vector<16xi32>
        tpu.vector_store %arg7[%swap3A_223], %swap3A_226 {strides = array<i32>} : memref<128xi32, #tpu.memory_space<vmem>>, vector<16xi32>,
        %get3A_227 = arith.constant 48 : index
        %get3A_228 = tpu.vector_load %arg7[%get3A_227] {strides = array<i32>} : memref<128xi32, #tpu.memory_space<vmem>>, vector<16xi32>,
        %get3A_229 = vector.shape_cast %get3A_228 : vector<16xi32> to vector<16xi32>
        %sub3A_230 = vector.broadcast %mul3A_0 : i32 to vector<16xi32>
        %sub3A_231 = arith.subi %get3A_229, %sub3A_230 : vector<16xi32>
        %ge3A_232 = arith.constant 0 : i32
        %ge3A_233 = vector.broadcast %ge3A_232 : i32 to vector<16xi32>
        %ge3A_234 = arith.cmpi sge, %sub3A_231, %ge3A_233 : vector<16xi32>
        %lt3A_235 = arith.constant 5120 : i32
        %lt3A_236 = vector.broadcast %lt3A_235 : i32 to vector<16xi32>
        %lt3A_237 = arith.cmpi slt, %sub3A_231, %lt3A_236 : vector<16xi32>
        %and3A_238 = arith.andi %ge3A_234, %lt3A_237 : vector<16xi1>
        %jit3A_239 = arith.constant 5120 : i32
        %broadcast_in_dim3A_240 = vector.broadcast %jit3A_239 : i32 to vector<16xi32>
        %select_n3A_241 = arith.select %and3A_238, %sub3A_231, %broadcast_in_dim3A_240 : vector<16xi1>, vector<16xi32>
        %swap3A_242 = arith.constant 48 : index
        %swap3A_243 = tpu.vector_load %arg7[%swap3A_242] {strides = array<i32>} : memref<128xi32, #tpu.memory_space<vmem>>, vector<16xi32>,
        %swap3A_244 = vector.shape_cast %swap3A_243 : vector<16xi32> to vector<16xi32>
        %swap3A_245 = vector.shape_cast %select_n3A_241 : vector<16xi32> to vector<16xi32>
        tpu.vector_store %arg7[%swap3A_242], %swap3A_245 {strides = array<i32>} : memref<128xi32, #tpu.memory_space<vmem>>, vector<16xi32>,
        %get3A_246 = arith.constant 64 : index
        %get3A_247 = tpu.vector_load %arg7[%get3A_246] {strides = array<i32>} : memref<128xi32, #tpu.memory_space<vmem>>, vector<16xi32>,
        %get3A_248 = vector.shape_cast %get3A_247 : vector<16xi32> to vector<16xi32>
        %sub3A_249 = vector.broadcast %mul3A_0 : i32 to vector<16xi32>
        %sub3A_250 = arith.subi %get3A_248, %sub3A_249 : vector<16xi32>
        %ge3A_251 = arith.constant 0 : i32
        %ge3A_252 = vector.broadcast %ge3A_251 : i32 to vector<16xi32>
        %ge3A_253 = arith.cmpi sge, %sub3A_250, %ge3A_252 : vector<16xi32>
        %lt3A_254 = arith.constant 5120 : i32
        %lt3A_255 = vector.broadcast %lt3A_254 : i32 to vector<16xi32>
        %lt3A_256 = arith.cmpi slt, %sub3A_250, %lt3A_255 : vector<16xi32>
        %and3A_257 = arith.andi %ge3A_253, %lt3A_256 : vector<16xi1>
        %jit3A_258 = arith.constant 5120 : i32
        %broadcast_in_dim3A_259 = vector.broadcast %jit3A_258 : i32 to vector<16xi32>
        %select_n3A_260 = arith.select %and3A_257, %sub3A_250, %broadcast_in_dim3A_259 : vector<16xi1>, vector<16xi32>
        %swap3A_261 = arith.constant 64 : index
        %swap3A_262 = tpu.vector_load %arg7[%swap3A_261] {strides = array<i32>} : memref<128xi32, #tpu.memory_space<vmem>>, vector<16xi32>,
        %swap3A_263 = vector.shape_cast %swap3A_262 : vector<16xi32> to vector<16xi32>
        %swap3A_264 = vector.shape_cast %select_n3A_260 : vector<16xi32> to vector<16xi32>
        tpu.vector_store %arg7[%swap3A_261], %swap3A_264 {strides = array<i32>} : memref<128xi32, #tpu.memory_space<vmem>>, vector<16xi32>,
        %get3A_265 = arith.constant 80 : index
        %get3A_266 = tpu.vector_load %arg7[%get3A_265] {strides = array<i32>} : memref<128xi32, #tpu.memory_space<vmem>>, vector<16xi32>,
        %get3A_267 = vector.shape_cast %get3A_266 : vector<16xi32> to vector<16xi32>
        %sub3A_268 = vector.broadcast %mul3A_0 : i32 to vector<16xi32>
        %sub3A_269 = arith.subi %get3A_267, %sub3A_268 : vector<16xi32>
        %ge3A_270 = arith.constant 0 : i32
        %ge3A_271 = vector.broadcast %ge3A_270 : i32 to vector<16xi32>
        %ge3A_272 = arith.cmpi sge, %sub3A_269, %ge3A_271 : vector<16xi32>
        %lt3A_273 = arith.constant 5120 : i32
        %lt3A_274 = vector.broadcast %lt3A_273 : i32 to vector<16xi32>
        %lt3A_275 = arith.cmpi slt, %sub3A_269, %lt3A_274 : vector<16xi32>
        %and3A_276 = arith.andi %ge3A_272, %lt3A_275 : vector<16xi1>
        %jit3A_277 = arith.constant 5120 : i32
        %broadcast_in_dim3A_278 = vector.broadcast %jit3A_277 : i32 to vector<16xi32>
        %select_n3A_279 = arith.select %and3A_276, %sub3A_269, %broadcast_in_dim3A_278 : vector<16xi1>, vector<16xi32>
        %swap3A_280 = arith.constant 80 : index
        %swap3A_281 = tpu.vector_load %arg7[%swap3A_280] {strides = array<i32>} : memref<128xi32, #tpu.memory_space<vmem>>, vector<16xi32>,
        %swap3A_282 = vector.shape_cast %swap3A_281 : vector<16xi32> to vector<16xi32>
        %swap3A_283 = vector.shape_cast %select_n3A_279 : vector<16xi32> to vector<16xi32>
        tpu.vector_store %arg7[%swap3A_280], %swap3A_283 {strides = array<i32>} : memref<128xi32, #tpu.memory_space<vmem>>, vector<16xi32>,
        %get3A_284 = arith.constant 96 : index
        %get3A_285 = tpu.vector_load %arg7[%get3A_284] {strides = array<i32>} : memref<128xi32, #tpu.memory_space<vmem>>, vector<16xi32>,
        %get3A_286 = vector.shape_cast %get3A_285 : vector<16xi32> to vector<16xi32>
        %sub3A_287 = vector.broadcast %mul3A_0 : i32 to vector<16xi32>
        %sub3A_288 = arith.subi %get3A_286, %sub3A_287 : vector<16xi32>
        %ge3A_289 = arith.constant 0 : i32
        %ge3A_290 = vector.broadcast %ge3A_289 : i32 to vector<16xi32>
        %ge3A_291 = arith.cmpi sge, %sub3A_288, %ge3A_290 : vector<16xi32>
        %lt3A_292 = arith.constant 5120 : i32
        %lt3A_293 = vector.broadcast %lt3A_292 : i32 to vector<16xi32>
        %lt3A_294 = arith.cmpi slt, %sub3A_288, %lt3A_293 : vector<16xi32>
        %and3A_295 = arith.andi %ge3A_291, %lt3A_294 : vector<16xi1>
        %jit3A_296 = arith.constant 5120 : i32
        %broadcast_in_dim3A_297 = vector.broadcast %jit3A_296 : i32 to vector<16xi32>
        %select_n3A_298 = arith.select %and3A_295, %sub3A_288, %broadcast_in_dim3A_297 : vector<16xi1>, vector<16xi32>
        %swap3A_299 = arith.constant 96 : index
        %swap3A_300 = tpu.vector_load %arg7[%swap3A_299] {strides = array<i32>} : memref<128xi32, #tpu.memory_space<vmem>>, vector<16xi32>,
        %swap3A_301 = vector.shape_cast %swap3A_300 : vector<16xi32> to vector<16xi32>
        %swap3A_302 = vector.shape_cast %select_n3A_298 : vector<16xi32> to vector<16xi32>
        tpu.vector_store %arg7[%swap3A_299], %swap3A_302 {strides = array<i32>} : memref<128xi32, #tpu.memory_space<vmem>>, vector<16xi32>,
        %get3A_303 = arith.constant 112 : index
        %get3A_304 = tpu.vector_load %arg7[%get3A_303] {strides = array<i32>} : memref<128xi32, #tpu.memory_space<vmem>>, vector<16xi32>,
        %get3A_305 = vector.shape_cast %get3A_304 : vector<16xi32> to vector<16xi32>
        %sub3A_306 = vector.broadcast %mul3A_0 : i32 to vector<16xi32>
        %sub3A_307 = arith.subi %get3A_305, %sub3A_306 : vector<16xi32>
        %ge3A_308 = arith.constant 0 : i32
        %ge3A_309 = vector.broadcast %ge3A_308 : i32 to vector<16xi32>
        %ge3A_310 = arith.cmpi sge, %sub3A_307, %ge3A_309 : vector<16xi32>
        %lt3A_311 = arith.constant 5120 : i32
        %lt3A_312 = vector.broadcast %lt3A_311 : i32 to vector<16xi32>
        %lt3A_313 = arith.cmpi slt, %sub3A_307, %lt3A_312 : vector<16xi32>
        %and3A_314 = arith.andi %ge3A_310, %lt3A_313 : vector<16xi1>
        %jit3A_315 = arith.constant 5120 : i32
        %broadcast_in_dim3A_316 = vector.broadcast %jit3A_315 : i32 to vector<16xi32>
        %select_n3A_317 = arith.select %and3A_314, %sub3A_307, %broadcast_in_dim3A_316 : vector<16xi1>, vector<16xi32>
        %swap3A_318 = arith.constant 112 : index
        %swap3A_319 = tpu.vector_load %arg7[%swap3A_318] {strides = array<i32>} : memref<128xi32, #tpu.memory_space<vmem>>, vector<16xi32>,
        %swap3A_320 = vector.shape_cast %swap3A_319 : vector<16xi32> to vector<16xi32>
        %swap3A_321 = vector.shape_cast %select_n3A_317 : vector<16xi32> to vector<16xi32>
        tpu.vector_store %arg7[%swap3A_318], %swap3A_321 {strides = array<i32>} : memref<128xi32, #tpu.memory_space<vmem>>, vector<16xi32>,
        %dma_start3A = arith.constant 0 : i32
        %dma_start3A_322 = arith.constant 0 : i32
        %dma_start3A_323 = tpu.memref_slice %arg12[%dma_start3A, %dma_start3A_322] : memref<5248x48xf32, #tpu.memory_space<vmem_shared>> -> memref<5248x48xf32, #tpu.memory_space<vmem_shared>>
        tpu.enqueue_indirect_dma source(%arg10 : memref<128x48xf32, #tpu.memory_space<vmem>>) target(%dma_start3A_323 : memref<5248x48xf32, #tpu.memory_space<vmem_shared>>) offsets(%arg7 : memref<128xi32, #tpu.memory_space<vmem>>) semaphore(%arg20 : memref<!tpu.dma_semaphore, #tpu.memory_space<semaphore_mem>>) {add = true}
      } else {
      }
      %mul3A_100 = arith.constant 3 : i32
      %mul3A_101 = arith.muli %mul3A_100, %scan3A_52 : i32
      %ge3A_102 = arith.constant 0 : i32
      %ge3A_103 = arith.cmpi sge, %mul3A_101, %ge3A_102 : i32
      %mul3A_104 = arith.constant 16 : i32
      %mul3A_105 = arith.muli %mul3A_101, %mul3A_104 : i32
      %add3A_106 = arith.addi %arg1, %mul3A_105 : i32
      %lt3A_107 = arith.constant 1250 : i32
      %lt3A_108 = arith.cmpi slt, %add3A_106, %lt3A_107 : i32
      %and3A_109 = arith.andi %ge3A_103, %lt3A_108 : i1
      %convert_element_type3A_110 = arith.extui %and3A_109 : i1 to i32
      %cond3A_111 = arith.constant 0 : i32
      %cond3A_112 = arith.cmpi ne, %convert_element_type3A_110, %cond3A_111 : i32
      scf.if %cond3A_112 {
        %dma_wait3A = arith.constant 0 : i32
        %dma_wait3A_164 = arith.constant 0 : i32
        %dma_wait3A_165 = tpu.memref_slice %arg12[%dma_wait3A, %dma_wait3A_164] : memref<5248x48xf32, #tpu.memory_space<vmem_shared>> -> memref<128x48xf32, #tpu.memory_space<vmem_shared>>
        %dma_wait3A_166 = arith.constant 0 : i32
        %dma_wait3A_167 = arith.constant 0 : i32
        %dma_wait3A_168 = tpu.memref_slice %arg12[%dma_wait3A_166, %dma_wait3A_167] : memref<5248x48xf32, #tpu.memory_space<vmem_shared>> -> memref<128x48xf32, #tpu.memory_space<vmem_shared>>
        tpu.wait_dma2 semaphore(%arg19 : memref<!tpu.dma_semaphore, #tpu.memory_space<semaphore_mem>>) src(%arg9 : memref<128x48xf32, #tpu.memory_space<vmem>>) dst(%dma_wait3A_168 : memref<128x48xf32, #tpu.memory_space<vmem_shared>>)
      } else {
      }
      %mul3A_113 = arith.constant 3 : i32
      %mul3A_114 = arith.muli %mul3A_113, %scan3A_52 : i32
      %add3A_115 = arith.constant 3 : i32
      %add3A_116 = arith.addi %mul3A_114, %add3A_115 : i32
      %mul3A_117 = arith.constant 16 : i32
      %mul3A_118 = arith.muli %add3A_116, %mul3A_117 : i32
      %add3A_119 = arith.addi %arg1, %mul3A_118 : i32
      %lt3A_120 = arith.constant 1250 : i32
      %lt3A_121 = arith.cmpi slt, %add3A_119, %lt3A_120 : i32
      %convert_element_type3A_122 = arith.extui %lt3A_121 : i1 to i32
      %cond3A_123 = arith.constant 0 : i32
      %cond3A_124 = arith.cmpi ne, %convert_element_type3A_122, %cond3A_123 : i32
      scf.if %cond3A_124 {
        %dma_start3A = arith.constant 0 : i32
        %dma_start3A_164 = tpu.memref_slice %arg2[%add3A_119, %dma_start3A] : memref<1250x128xi32, #tpu.memory_space<hbm>> -> memref<1x128xi32, #tpu.memory_space<hbm>>
        %dma_start3A_165 = tpu.memref_squeeze %dma_start3A_164 : memref<1x128xi32, #tpu.memory_space<hbm>> -> memref<128xi32, #tpu.memory_space<hbm>>
        %dma_start3A_166 = arith.constant 0 : i32
        %dma_start3A_167 = tpu.memref_slice %arg2[%add3A_119, %dma_start3A_166] : memref<1250x128xi32, #tpu.memory_space<hbm>> -> memref<1x128xi32, #tpu.memory_space<hbm>>
        %dma_start3A_168 = tpu.memref_squeeze %dma_start3A_167 : memref<1x128xi32, #tpu.memory_space<hbm>> -> memref<128xi32, #tpu.memory_space<hbm>>
        tpu.enqueue_dma source(%dma_start3A_168 : memref<128xi32, #tpu.memory_space<hbm>>) target(%arg6 : memref<128xi32, #tpu.memory_space<vmem>>) target_semaphore(%arg13 : memref<!tpu.dma_semaphore, #tpu.memory_space<semaphore_mem>>)
        %mul3A_169 = arith.constant 128 : i32
        %mul3A_170 = arith.muli %add3A_119, %mul3A_169 : i32
        %dma_start3A_171 = arith.constant 0 : i32
        %dma_start3A_172 = tpu.memref_slice %arg3[%mul3A_170, %dma_start3A_171] : memref<160000x128xf32, #tpu.memory_space<hbm>> -> memref<128x48xf32, #tpu.memory_space<hbm>>
        %dma_start3A_173 = arith.constant 0 : i32
        %dma_start3A_174 = tpu.memref_slice %arg3[%mul3A_170, %dma_start3A_173] : memref<160000x128xf32, #tpu.memory_space<hbm>> -> memref<128x48xf32, #tpu.memory_space<hbm>>
        tpu.enqueue_dma source(%dma_start3A_174 : memref<128x48xf32, #tpu.memory_space<hbm>>) target(%arg9 : memref<128x48xf32, #tpu.memory_space<vmem>>) target_semaphore(%arg16 : memref<!tpu.dma_semaphore, #tpu.memory_space<semaphore_mem>>)
      } else {
      }
      %mul3A_125 = arith.constant 3 : i32
      %mul3A_126 = arith.muli %mul3A_125, %scan3A_52 : i32
      %add3A_127 = arith.constant 2 : i32
      %add3A_128 = arith.addi %mul3A_126, %add3A_127 : i32
      %mul3A_129 = arith.constant 16 : i32
      %mul3A_130 = arith.muli %add3A_128, %mul3A_129 : i32
      %add3A_131 = arith.addi %arg1, %mul3A_130 : i32
      %lt3A_132 = arith.constant 1250 : i32
      %lt3A_133 = arith.cmpi slt, %add3A_131, %lt3A_132 : i32
      %convert_element_type3A_134 = arith.extui %lt3A_133 : i1 to i32
      %cond3A_135 = arith.constant 0 : i32
      %cond3A_136 = arith.cmpi ne, %convert_element_type3A_134, %cond3A_135 : i32
      scf.if %cond3A_136 {
        %dma_wait3A = arith.constant 0 : i32
        %dma_wait3A_164 = tpu.memref_slice %arg2[%add3A_131, %dma_wait3A] : memref<1250x128xi32, #tpu.memory_space<hbm>> -> memref<1x128xi32, #tpu.memory_space<hbm>>
        %dma_wait3A_165 = tpu.memref_squeeze %dma_wait3A_164 : memref<1x128xi32, #tpu.memory_space<hbm>> -> memref<128xi32, #tpu.memory_space<hbm>>
        %dma_wait3A_166 = arith.constant 0 : i32
        %dma_wait3A_167 = tpu.memref_slice %arg2[%add3A_131, %dma_wait3A_166] : memref<1250x128xi32, #tpu.memory_space<hbm>> -> memref<1x128xi32, #tpu.memory_space<hbm>>
        %dma_wait3A_168 = tpu.memref_squeeze %dma_wait3A_167 : memref<1x128xi32, #tpu.memory_space<hbm>> -> memref<128xi32, #tpu.memory_space<hbm>>
        tpu.wait_dma2 semaphore(%arg15 : memref<!tpu.dma_semaphore, #tpu.memory_space<semaphore_mem>>) src(%dma_wait3A_168 : memref<128xi32, #tpu.memory_space<hbm>>) dst(%arg8 : memref<128xi32, #tpu.memory_space<vmem>>)
        %mul3A_169 = arith.constant 128 : i32
        %mul3A_170 = arith.muli %add3A_131, %mul3A_169 : i32
        %dma_wait3A_171 = arith.constant 0 : i32
        %dma_wait3A_172 = tpu.memref_slice %arg3[%mul3A_170, %dma_wait3A_171] : memref<160000x128xf32, #tpu.memory_space<hbm>> -> memref<128x48xf32, #tpu.memory_space<hbm>>
        %dma_wait3A_173 = arith.constant 0 : i32
        %dma_wait3A_174 = tpu.memref_slice %arg3[%mul3A_170, %dma_wait3A_173] : memref<160000x128xf32, #tpu.memory_space<hbm>> -> memref<128x48xf32, #tpu.memory_space<hbm>>
        tpu.wait_dma2 semaphore(%arg18 : memref<!tpu.dma_semaphore, #tpu.memory_space<semaphore_mem>>) src(%dma_wait3A_174 : memref<128x48xf32, #tpu.memory_space<hbm>>) dst(%arg11 : memref<128x48xf32, #tpu.memory_space<vmem>>)
        %get3A = arith.constant 0 : index
        %get3A_175 = tpu.vector_load %arg8[%get3A] {strides = array<i32>} : memref<128xi32, #tpu.memory_space<vmem>>, vector<16xi32>,
        %get3A_176 = vector.shape_cast %get3A_175 : vector<16xi32> to vector<16xi32>
        %sub3A_177 = vector.broadcast %mul3A_0 : i32 to vector<16xi32>
        %sub3A_178 = arith.subi %get3A_176, %sub3A_177 : vector<16xi32>
        %ge3A_179 = arith.constant 0 : i32
        %ge3A_180 = vector.broadcast %ge3A_179 : i32 to vector<16xi32>
        %ge3A_181 = arith.cmpi sge, %sub3A_178, %ge3A_180 : vector<16xi32>
        %lt3A_182 = arith.constant 5120 : i32
        %lt3A_183 = vector.broadcast %lt3A_182 : i32 to vector<16xi32>
        %lt3A_184 = arith.cmpi slt, %sub3A_178, %lt3A_183 : vector<16xi32>
        %and3A_185 = arith.andi %ge3A_181, %lt3A_184 : vector<16xi1>
        %jit3A = arith.constant 5120 : i32
        %broadcast_in_dim3A = vector.broadcast %jit3A : i32 to vector<16xi32>
        %select_n3A = arith.select %and3A_185, %sub3A_178, %broadcast_in_dim3A : vector<16xi1>, vector<16xi32>
        %swap3A = arith.constant 0 : index
        %swap3A_186 = tpu.vector_load %arg8[%swap3A] {strides = array<i32>} : memref<128xi32, #tpu.memory_space<vmem>>, vector<16xi32>,
        %swap3A_187 = vector.shape_cast %swap3A_186 : vector<16xi32> to vector<16xi32>
        %swap3A_188 = vector.shape_cast %select_n3A : vector<16xi32> to vector<16xi32>
        tpu.vector_store %arg8[%swap3A], %swap3A_188 {strides = array<i32>} : memref<128xi32, #tpu.memory_space<vmem>>, vector<16xi32>,
        %get3A_189 = arith.constant 16 : index
        %get3A_190 = tpu.vector_load %arg8[%get3A_189] {strides = array<i32>} : memref<128xi32, #tpu.memory_space<vmem>>, vector<16xi32>,
        %get3A_191 = vector.shape_cast %get3A_190 : vector<16xi32> to vector<16xi32>
        %sub3A_192 = vector.broadcast %mul3A_0 : i32 to vector<16xi32>
        %sub3A_193 = arith.subi %get3A_191, %sub3A_192 : vector<16xi32>
        %ge3A_194 = arith.constant 0 : i32
        %ge3A_195 = vector.broadcast %ge3A_194 : i32 to vector<16xi32>
        %ge3A_196 = arith.cmpi sge, %sub3A_193, %ge3A_195 : vector<16xi32>
        %lt3A_197 = arith.constant 5120 : i32
        %lt3A_198 = vector.broadcast %lt3A_197 : i32 to vector<16xi32>
        %lt3A_199 = arith.cmpi slt, %sub3A_193, %lt3A_198 : vector<16xi32>
        %and3A_200 = arith.andi %ge3A_196, %lt3A_199 : vector<16xi1>
        %jit3A_201 = arith.constant 5120 : i32
        %broadcast_in_dim3A_202 = vector.broadcast %jit3A_201 : i32 to vector<16xi32>
        %select_n3A_203 = arith.select %and3A_200, %sub3A_193, %broadcast_in_dim3A_202 : vector<16xi1>, vector<16xi32>
        %swap3A_204 = arith.constant 16 : index
        %swap3A_205 = tpu.vector_load %arg8[%swap3A_204] {strides = array<i32>} : memref<128xi32, #tpu.memory_space<vmem>>, vector<16xi32>,
        %swap3A_206 = vector.shape_cast %swap3A_205 : vector<16xi32> to vector<16xi32>
        %swap3A_207 = vector.shape_cast %select_n3A_203 : vector<16xi32> to vector<16xi32>
        tpu.vector_store %arg8[%swap3A_204], %swap3A_207 {strides = array<i32>} : memref<128xi32, #tpu.memory_space<vmem>>, vector<16xi32>,
        %get3A_208 = arith.constant 32 : index
        %get3A_209 = tpu.vector_load %arg8[%get3A_208] {strides = array<i32>} : memref<128xi32, #tpu.memory_space<vmem>>, vector<16xi32>,
        %get3A_210 = vector.shape_cast %get3A_209 : vector<16xi32> to vector<16xi32>
        %sub3A_211 = vector.broadcast %mul3A_0 : i32 to vector<16xi32>
        %sub3A_212 = arith.subi %get3A_210, %sub3A_211 : vector<16xi32>
        %ge3A_213 = arith.constant 0 : i32
        %ge3A_214 = vector.broadcast %ge3A_213 : i32 to vector<16xi32>
        %ge3A_215 = arith.cmpi sge, %sub3A_212, %ge3A_214 : vector<16xi32>
        %lt3A_216 = arith.constant 5120 : i32
        %lt3A_217 = vector.broadcast %lt3A_216 : i32 to vector<16xi32>
        %lt3A_218 = arith.cmpi slt, %sub3A_212, %lt3A_217 : vector<16xi32>
        %and3A_219 = arith.andi %ge3A_215, %lt3A_218 : vector<16xi1>
        %jit3A_220 = arith.constant 5120 : i32
        %broadcast_in_dim3A_221 = vector.broadcast %jit3A_220 : i32 to vector<16xi32>
        %select_n3A_222 = arith.select %and3A_219, %sub3A_212, %broadcast_in_dim3A_221 : vector<16xi1>, vector<16xi32>
        %swap3A_223 = arith.constant 32 : index
        %swap3A_224 = tpu.vector_load %arg8[%swap3A_223] {strides = array<i32>} : memref<128xi32, #tpu.memory_space<vmem>>, vector<16xi32>,
        %swap3A_225 = vector.shape_cast %swap3A_224 : vector<16xi32> to vector<16xi32>
        %swap3A_226 = vector.shape_cast %select_n3A_222 : vector<16xi32> to vector<16xi32>
        tpu.vector_store %arg8[%swap3A_223], %swap3A_226 {strides = array<i32>} : memref<128xi32, #tpu.memory_space<vmem>>, vector<16xi32>,
        %get3A_227 = arith.constant 48 : index
        %get3A_228 = tpu.vector_load %arg8[%get3A_227] {strides = array<i32>} : memref<128xi32, #tpu.memory_space<vmem>>, vector<16xi32>,
        %get3A_229 = vector.shape_cast %get3A_228 : vector<16xi32> to vector<16xi32>
        %sub3A_230 = vector.broadcast %mul3A_0 : i32 to vector<16xi32>
        %sub3A_231 = arith.subi %get3A_229, %sub3A_230 : vector<16xi32>
        %ge3A_232 = arith.constant 0 : i32
        %ge3A_233 = vector.broadcast %ge3A_232 : i32 to vector<16xi32>
        %ge3A_234 = arith.cmpi sge, %sub3A_231, %ge3A_233 : vector<16xi32>
        %lt3A_235 = arith.constant 5120 : i32
        %lt3A_236 = vector.broadcast %lt3A_235 : i32 to vector<16xi32>
        %lt3A_237 = arith.cmpi slt, %sub3A_231, %lt3A_236 : vector<16xi32>
        %and3A_238 = arith.andi %ge3A_234, %lt3A_237 : vector<16xi1>
        %jit3A_239 = arith.constant 5120 : i32
        %broadcast_in_dim3A_240 = vector.broadcast %jit3A_239 : i32 to vector<16xi32>
        %select_n3A_241 = arith.select %and3A_238, %sub3A_231, %broadcast_in_dim3A_240 : vector<16xi1>, vector<16xi32>
        %swap3A_242 = arith.constant 48 : index
        %swap3A_243 = tpu.vector_load %arg8[%swap3A_242] {strides = array<i32>} : memref<128xi32, #tpu.memory_space<vmem>>, vector<16xi32>,
        %swap3A_244 = vector.shape_cast %swap3A_243 : vector<16xi32> to vector<16xi32>
        %swap3A_245 = vector.shape_cast %select_n3A_241 : vector<16xi32> to vector<16xi32>
        tpu.vector_store %arg8[%swap3A_242], %swap3A_245 {strides = array<i32>} : memref<128xi32, #tpu.memory_space<vmem>>, vector<16xi32>,
        %get3A_246 = arith.constant 64 : index
        %get3A_247 = tpu.vector_load %arg8[%get3A_246] {strides = array<i32>} : memref<128xi32, #tpu.memory_space<vmem>>, vector<16xi32>,
        %get3A_248 = vector.shape_cast %get3A_247 : vector<16xi32> to vector<16xi32>
        %sub3A_249 = vector.broadcast %mul3A_0 : i32 to vector<16xi32>
        %sub3A_250 = arith.subi %get3A_248, %sub3A_249 : vector<16xi32>
        %ge3A_251 = arith.constant 0 : i32
        %ge3A_252 = vector.broadcast %ge3A_251 : i32 to vector<16xi32>
        %ge3A_253 = arith.cmpi sge, %sub3A_250, %ge3A_252 : vector<16xi32>
        %lt3A_254 = arith.constant 5120 : i32
        %lt3A_255 = vector.broadcast %lt3A_254 : i32 to vector<16xi32>
        %lt3A_256 = arith.cmpi slt, %sub3A_250, %lt3A_255 : vector<16xi32>
        %and3A_257 = arith.andi %ge3A_253, %lt3A_256 : vector<16xi1>
        %jit3A_258 = arith.constant 5120 : i32
        %broadcast_in_dim3A_259 = vector.broadcast %jit3A_258 : i32 to vector<16xi32>
        %select_n3A_260 = arith.select %and3A_257, %sub3A_250, %broadcast_in_dim3A_259 : vector<16xi1>, vector<16xi32>
        %swap3A_261 = arith.constant 64 : index
        %swap3A_262 = tpu.vector_load %arg8[%swap3A_261] {strides = array<i32>} : memref<128xi32, #tpu.memory_space<vmem>>, vector<16xi32>,
        %swap3A_263 = vector.shape_cast %swap3A_262 : vector<16xi32> to vector<16xi32>
        %swap3A_264 = vector.shape_cast %select_n3A_260 : vector<16xi32> to vector<16xi32>
        tpu.vector_store %arg8[%swap3A_261], %swap3A_264 {strides = array<i32>} : memref<128xi32, #tpu.memory_space<vmem>>, vector<16xi32>,
        %get3A_265 = arith.constant 80 : index
        %get3A_266 = tpu.vector_load %arg8[%get3A_265] {strides = array<i32>} : memref<128xi32, #tpu.memory_space<vmem>>, vector<16xi32>,
        %get3A_267 = vector.shape_cast %get3A_266 : vector<16xi32> to vector<16xi32>
        %sub3A_268 = vector.broadcast %mul3A_0 : i32 to vector<16xi32>
        %sub3A_269 = arith.subi %get3A_267, %sub3A_268 : vector<16xi32>
        %ge3A_270 = arith.constant 0 : i32
        %ge3A_271 = vector.broadcast %ge3A_270 : i32 to vector<16xi32>
        %ge3A_272 = arith.cmpi sge, %sub3A_269, %ge3A_271 : vector<16xi32>
        %lt3A_273 = arith.constant 5120 : i32
        %lt3A_274 = vector.broadcast %lt3A_273 : i32 to vector<16xi32>
        %lt3A_275 = arith.cmpi slt, %sub3A_269, %lt3A_274 : vector<16xi32>
        %and3A_276 = arith.andi %ge3A_272, %lt3A_275 : vector<16xi1>
        %jit3A_277 = arith.constant 5120 : i32
        %broadcast_in_dim3A_278 = vector.broadcast %jit3A_277 : i32 to vector<16xi32>
        %select_n3A_279 = arith.select %and3A_276, %sub3A_269, %broadcast_in_dim3A_278 : vector<16xi1>, vector<16xi32>
        %swap3A_280 = arith.constant 80 : index
        %swap3A_281 = tpu.vector_load %arg8[%swap3A_280] {strides = array<i32>} : memref<128xi32, #tpu.memory_space<vmem>>, vector<16xi32>,
        %swap3A_282 = vector.shape_cast %swap3A_281 : vector<16xi32> to vector<16xi32>
        %swap3A_283 = vector.shape_cast %select_n3A_279 : vector<16xi32> to vector<16xi32>
        tpu.vector_store %arg8[%swap3A_280], %swap3A_283 {strides = array<i32>} : memref<128xi32, #tpu.memory_space<vmem>>, vector<16xi32>,
        %get3A_284 = arith.constant 96 : index
        %get3A_285 = tpu.vector_load %arg8[%get3A_284] {strides = array<i32>} : memref<128xi32, #tpu.memory_space<vmem>>, vector<16xi32>,
        %get3A_286 = vector.shape_cast %get3A_285 : vector<16xi32> to vector<16xi32>
        %sub3A_287 = vector.broadcast %mul3A_0 : i32 to vector<16xi32>
        %sub3A_288 = arith.subi %get3A_286, %sub3A_287 : vector<16xi32>
        %ge3A_289 = arith.constant 0 : i32
        %ge3A_290 = vector.broadcast %ge3A_289 : i32 to vector<16xi32>
        %ge3A_291 = arith.cmpi sge, %sub3A_288, %ge3A_290 : vector<16xi32>
        %lt3A_292 = arith.constant 5120 : i32
        %lt3A_293 = vector.broadcast %lt3A_292 : i32 to vector<16xi32>
        %lt3A_294 = arith.cmpi slt, %sub3A_288, %lt3A_293 : vector<16xi32>
        %and3A_295 = arith.andi %ge3A_291, %lt3A_294 : vector<16xi1>
        %jit3A_296 = arith.constant 5120 : i32
        %broadcast_in_dim3A_297 = vector.broadcast %jit3A_296 : i32 to vector<16xi32>
        %select_n3A_298 = arith.select %and3A_295, %sub3A_288, %broadcast_in_dim3A_297 : vector<16xi1>, vector<16xi32>
        %swap3A_299 = arith.constant 96 : index
        %swap3A_300 = tpu.vector_load %arg8[%swap3A_299] {strides = array<i32>} : memref<128xi32, #tpu.memory_space<vmem>>, vector<16xi32>,
        %swap3A_301 = vector.shape_cast %swap3A_300 : vector<16xi32> to vector<16xi32>
        %swap3A_302 = vector.shape_cast %select_n3A_298 : vector<16xi32> to vector<16xi32>
        tpu.vector_store %arg8[%swap3A_299], %swap3A_302 {strides = array<i32>} : memref<128xi32, #tpu.memory_space<vmem>>, vector<16xi32>,
        %get3A_303 = arith.constant 112 : index
        %get3A_304 = tpu.vector_load %arg8[%get3A_303] {strides = array<i32>} : memref<128xi32, #tpu.memory_space<vmem>>, vector<16xi32>,
        %get3A_305 = vector.shape_cast %get3A_304 : vector<16xi32> to vector<16xi32>
        %sub3A_306 = vector.broadcast %mul3A_0 : i32 to vector<16xi32>
        %sub3A_307 = arith.subi %get3A_305, %sub3A_306 : vector<16xi32>
        %ge3A_308 = arith.constant 0 : i32
        %ge3A_309 = vector.broadcast %ge3A_308 : i32 to vector<16xi32>
        %ge3A_310 = arith.cmpi sge, %sub3A_307, %ge3A_309 : vector<16xi32>
        %lt3A_311 = arith.constant 5120 : i32
        %lt3A_312 = vector.broadcast %lt3A_311 : i32 to vector<16xi32>
        %lt3A_313 = arith.cmpi slt, %sub3A_307, %lt3A_312 : vector<16xi32>
        %and3A_314 = arith.andi %ge3A_310, %lt3A_313 : vector<16xi1>
        %jit3A_315 = arith.constant 5120 : i32
        %broadcast_in_dim3A_316 = vector.broadcast %jit3A_315 : i32 to vector<16xi32>
        %select_n3A_317 = arith.select %and3A_314, %sub3A_307, %broadcast_in_dim3A_316 : vector<16xi1>, vector<16xi32>
        %swap3A_318 = arith.constant 112 : index
        %swap3A_319 = tpu.vector_load %arg8[%swap3A_318] {strides = array<i32>} : memref<128xi32, #tpu.memory_space<vmem>>, vector<16xi32>,
        %swap3A_320 = vector.shape_cast %swap3A_319 : vector<16xi32> to vector<16xi32>
        %swap3A_321 = vector.shape_cast %select_n3A_317 : vector<16xi32> to vector<16xi32>
        tpu.vector_store %arg8[%swap3A_318], %swap3A_321 {strides = array<i32>} : memref<128xi32, #tpu.memory_space<vmem>>, vector<16xi32>,
        %dma_start3A = arith.constant 0 : i32
        %dma_start3A_322 = arith.constant 0 : i32
        %dma_start3A_323 = tpu.memref_slice %arg12[%dma_start3A, %dma_start3A_322] : memref<5248x48xf32, #tpu.memory_space<vmem_shared>> -> memref<5248x48xf32, #tpu.memory_space<vmem_shared>>
        tpu.enqueue_indirect_dma source(%arg11 : memref<128x48xf32, #tpu.memory_space<vmem>>) target(%dma_start3A_323 : memref<5248x48xf32, #tpu.memory_space<vmem_shared>>) offsets(%arg8 : memref<128xi32, #tpu.memory_space<vmem>>) semaphore(%arg21 : memref<!tpu.dma_semaphore, #tpu.memory_space<semaphore_mem>>) {add = true}
      } else {
      }
      %mul3A_137 = arith.constant 3 : i32
      %mul3A_138 = arith.muli %mul3A_137, %scan3A_52 : i32
      %add3A_139 = arith.constant 1 : i32
      %add3A_140 = arith.addi %mul3A_138, %add3A_139 : i32
      %ge3A_141 = arith.constant 0 : i32
      %ge3A_142 = arith.cmpi sge, %add3A_140, %ge3A_141 : i32
      %mul3A_143 = arith.constant 16 : i32
      %mul3A_144 = arith.muli %add3A_140, %mul3A_143 : i32
      %add3A_145 = arith.addi %arg1, %mul3A_144 : i32
      %lt3A_146 = arith.constant 1250 : i32
      %lt3A_147 = arith.cmpi slt, %add3A_145, %lt3A_146 : i32
      %and3A_148 = arith.andi %ge3A_142, %lt3A_147 : i1
      %convert_element_type3A_149 = arith.extui %and3A_148 : i1 to i32
      %cond3A_150 = arith.constant 0 : i32
      %cond3A_151 = arith.cmpi ne, %convert_element_type3A_149, %cond3A_150 : i32
      scf.if %cond3A_151 {
        %dma_wait3A = arith.constant 0 : i32
        %dma_wait3A_164 = arith.constant 0 : i32
        %dma_wait3A_165 = tpu.memref_slice %arg12[%dma_wait3A, %dma_wait3A_164] : memref<5248x48xf32, #tpu.memory_space<vmem_shared>> -> memref<128x48xf32, #tpu.memory_space<vmem_shared>>
        %dma_wait3A_166 = arith.constant 0 : i32
        %dma_wait3A_167 = arith.constant 0 : i32
        %dma_wait3A_168 = tpu.memref_slice %arg12[%dma_wait3A_166, %dma_wait3A_167] : memref<5248x48xf32, #tpu.memory_space<vmem_shared>> -> memref<128x48xf32, #tpu.memory_space<vmem_shared>>
        tpu.wait_dma2 semaphore(%arg20 : memref<!tpu.dma_semaphore, #tpu.memory_space<semaphore_mem>>) src(%arg10 : memref<128x48xf32, #tpu.memory_space<vmem>>) dst(%dma_wait3A_168 : memref<128x48xf32, #tpu.memory_space<vmem_shared>>)
      } else {
      }
      %mul3A_152 = arith.constant 3 : i32
      %mul3A_153 = arith.muli %mul3A_152, %scan3A_52 : i32
      %add3A_154 = arith.constant 4 : i32
      %add3A_155 = arith.addi %mul3A_153, %add3A_154 : i32
      %mul3A_156 = arith.constant 16 : i32
      %mul3A_157 = arith.muli %add3A_155, %mul3A_156 : i32
      %add3A_158 = arith.addi %arg1, %mul3A_157 : i32
      %lt3A_159 = arith.constant 1250 : i32
      %lt3A_160 = arith.cmpi slt, %add3A_158, %lt3A_159 : i32
      %convert_element_type3A_161 = arith.extui %lt3A_160 : i1 to i32
      %cond3A_162 = arith.constant 0 : i32
      %cond3A_163 = arith.cmpi ne, %convert_element_type3A_161, %cond3A_162 : i32
      scf.if %cond3A_163 {
        %dma_start3A = arith.constant 0 : i32
        %dma_start3A_164 = tpu.memref_slice %arg2[%add3A_158, %dma_start3A] : memref<1250x128xi32, #tpu.memory_space<hbm>> -> memref<1x128xi32, #tpu.memory_space<hbm>>
        %dma_start3A_165 = tpu.memref_squeeze %dma_start3A_164 : memref<1x128xi32, #tpu.memory_space<hbm>> -> memref<128xi32, #tpu.memory_space<hbm>>
        %dma_start3A_166 = arith.constant 0 : i32
        %dma_start3A_167 = tpu.memref_slice %arg2[%add3A_158, %dma_start3A_166] : memref<1250x128xi32, #tpu.memory_space<hbm>> -> memref<1x128xi32, #tpu.memory_space<hbm>>
        %dma_start3A_168 = tpu.memref_squeeze %dma_start3A_167 : memref<1x128xi32, #tpu.memory_space<hbm>> -> memref<128xi32, #tpu.memory_space<hbm>>
        tpu.enqueue_dma source(%dma_start3A_168 : memref<128xi32, #tpu.memory_space<hbm>>) target(%arg7 : memref<128xi32, #tpu.memory_space<vmem>>) target_semaphore(%arg14 : memref<!tpu.dma_semaphore, #tpu.memory_space<semaphore_mem>>)
        %mul3A_169 = arith.constant 128 : i32
        %mul3A_170 = arith.muli %add3A_158, %mul3A_169 : i32
        %dma_start3A_171 = arith.constant 0 : i32
        %dma_start3A_172 = tpu.memref_slice %arg3[%mul3A_170, %dma_start3A_171] : memref<160000x128xf32, #tpu.memory_space<hbm>> -> memref<128x48xf32, #tpu.memory_space<hbm>>
        %dma_start3A_173 = arith.constant 0 : i32
        %dma_start3A_174 = tpu.memref_slice %arg3[%mul3A_170, %dma_start3A_173] : memref<160000x128xf32, #tpu.memory_space<hbm>> -> memref<128x48xf32, #tpu.memory_space<hbm>>
        tpu.enqueue_dma source(%dma_start3A_174 : memref<128x48xf32, #tpu.memory_space<hbm>>) target(%arg10 : memref<128x48xf32, #tpu.memory_space<vmem>>) target_semaphore(%arg17 : memref<!tpu.dma_semaphore, #tpu.memory_space<semaphore_mem>>)
      } else {
      }
    }
    %scan3A_17 = arith.constant 27 : i32
    %add3A_18 = arith.constant 1280 : i32
    %add3A_19 = arith.addi %arg1, %add3A_18 : i32
    %lt3A_20 = arith.constant 1250 : i32
    %lt3A_21 = arith.cmpi slt, %add3A_19, %lt3A_20 : i32
    %and3A = arith.constant true
    %and3A_22 = arith.andi %and3A, %lt3A_21 : i1
    %convert_element_type3A_23 = arith.extui %and3A_22 : i1 to i32
    %cond3A_24 = arith.constant 0 : i32
    %cond3A_25 = arith.cmpi ne, %convert_element_type3A_23, %cond3A_24 : i32
    scf.if %cond3A_25 {
      %dma_wait3A = arith.constant 0 : i32
      %dma_wait3A_52 = arith.constant 0 : i32
      %dma_wait3A_53 = tpu.memref_slice %arg12[%dma_wait3A, %dma_wait3A_52] : memref<5248x48xf32, #tpu.memory_space<vmem_shared>> -> memref<128x48xf32, #tpu.memory_space<vmem_shared>>
      %dma_wait3A_54 = arith.constant 0 : i32
      %dma_wait3A_55 = arith.constant 0 : i32
      %dma_wait3A_56 = tpu.memref_slice %arg12[%dma_wait3A_54, %dma_wait3A_55] : memref<5248x48xf32, #tpu.memory_space<vmem_shared>> -> memref<128x48xf32, #tpu.memory_space<vmem_shared>>
      tpu.wait_dma2 semaphore(%arg21 : memref<!tpu.dma_semaphore, #tpu.memory_space<semaphore_mem>>) src(%arg11 : memref<128x48xf32, #tpu.memory_space<vmem>>) dst(%dma_wait3A_56 : memref<128x48xf32, #tpu.memory_space<vmem_shared>>)
    } else {
    }
    %add3A_26 = arith.constant 1296 : i32
    %add3A_27 = arith.addi %arg1, %add3A_26 : i32
    %lt3A_28 = arith.constant 1250 : i32
    %lt3A_29 = arith.cmpi slt, %add3A_27, %lt3A_28 : i32
    %and3A_30 = arith.constant true
    %and3A_31 = arith.andi %and3A_30, %lt3A_29 : i1
    %convert_element_type3A_32 = arith.extui %and3A_31 : i1 to i32
    %cond3A_33 = arith.constant 0 : i32
    %cond3A_34 = arith.cmpi ne, %convert_element_type3A_32, %cond3A_33 : i32
    scf.if %cond3A_34 {
      %dma_wait3A = arith.constant 0 : i32
      %dma_wait3A_52 = arith.constant 0 : i32
      %dma_wait3A_53 = tpu.memref_slice %arg12[%dma_wait3A, %dma_wait3A_52] : memref<5248x48xf32, #tpu.memory_space<vmem_shared>> -> memref<128x48xf32, #tpu.memory_space<vmem_shared>>
      %dma_wait3A_54 = arith.constant 0 : i32
      %dma_wait3A_55 = arith.constant 0 : i32
      %dma_wait3A_56 = tpu.memref_slice %arg12[%dma_wait3A_54, %dma_wait3A_55] : memref<5248x48xf32, #tpu.memory_space<vmem_shared>> -> memref<128x48xf32, #tpu.memory_space<vmem_shared>>
      tpu.wait_dma2 semaphore(%arg19 : memref<!tpu.dma_semaphore, #tpu.memory_space<semaphore_mem>>) src(%arg9 : memref<128x48xf32, #tpu.memory_space<vmem>>) dst(%dma_wait3A_56 : memref<128x48xf32, #tpu.memory_space<vmem_shared>>)
    } else {
    }
    %add3A_35 = arith.constant 1312 : i32
    %add3A_36 = arith.addi %arg1, %add3A_35 : i32
    %lt3A_37 = arith.constant 1250 : i32
    %lt3A_38 = arith.cmpi slt, %add3A_36, %lt3A_37 : i32
    %and3A_39 = arith.constant true
    %and3A_40 = arith.andi %and3A_39, %lt3A_38 : i1
    %convert_element_type3A_41 = arith.extui %and3A_40 : i1 to i32
    %cond3A_42 = arith.constant 0 : i32
    %cond3A_43 = arith.cmpi ne, %convert_element_type3A_41, %cond3A_42 : i32
    scf.if %cond3A_43 {
      %dma_wait3A = arith.constant 0 : i32
      %dma_wait3A_52 = arith.constant 0 : i32
      %dma_wait3A_53 = tpu.memref_slice %arg12[%dma_wait3A, %dma_wait3A_52] : memref<5248x48xf32, #tpu.memory_space<vmem_shared>> -> memref<128x48xf32, #tpu.memory_space<vmem_shared>>
      %dma_wait3A_54 = arith.constant 0 : i32
      %dma_wait3A_55 = arith.constant 0 : i32
      %dma_wait3A_56 = tpu.memref_slice %arg12[%dma_wait3A_54, %dma_wait3A_55] : memref<5248x48xf32, #tpu.memory_space<vmem_shared>> -> memref<128x48xf32, #tpu.memory_space<vmem_shared>>
      tpu.wait_dma2 semaphore(%arg20 : memref<!tpu.dma_semaphore, #tpu.memory_space<semaphore_mem>>) src(%arg10 : memref<128x48xf32, #tpu.memory_space<vmem>>) dst(%dma_wait3A_56 : memref<128x48xf32, #tpu.memory_space<vmem_shared>>)
    } else {
    }
    %barrier3A_44 = arith.constant 0 : index
    tpu.barrier barrier_id(%barrier3A_44)
    %mul3A_45 = arith.constant 320 : i32
    %mul3A_46 = arith.muli %arg1, %mul3A_45 : i32
    %mul3A_47 = arith.constant 5120 : i32
    %mul3A_48 = arith.muli %arg0, %mul3A_47 : i32
    %mul3A_49 = arith.constant 320 : i32
    %mul3A_50 = arith.muli %arg1, %mul3A_49 : i32
    %add3A_51 = arith.addi %mul3A_48, %mul3A_50 : i32
    "tpu.region"() ({
      %run_scoped3A = tpu.sem_alloc : memref<!tpu.dma_semaphore, #tpu.memory_space<semaphore_mem>>
      %dma_start3A = arith.constant 0 : i32
      %dma_start3A_52 = tpu.memref_slice %arg5[%add3A_51, %dma_start3A] : memref<10240x128xf32, #tpu.memory_space<hbm>> -> memref<320x48xf32, #tpu.memory_space<hbm>>
      %dma_start3A_53 = arith.constant 0 : i32
      %dma_start3A_54 = tpu.memref_slice %arg12[%mul3A_46, %dma_start3A_53] : memref<5248x48xf32, #tpu.memory_space<vmem_shared>> -> memref<320x48xf32, #tpu.memory_space<vmem_shared>>
      tpu.enqueue_dma source(%dma_start3A_54 : memref<320x48xf32, #tpu.memory_space<vmem_shared>>) target(%dma_start3A_52 : memref<320x48xf32, #tpu.memory_space<hbm>>) target_semaphore(%run_scoped3A : memref<!tpu.dma_semaphore, #tpu.memory_space<semaphore_mem>>)
      %dma_wait3A = arith.constant 0 : i32
      %dma_wait3A_55 = tpu.memref_slice %arg5[%add3A_51, %dma_wait3A] : memref<10240x128xf32, #tpu.memory_space<hbm>> -> memref<320x48xf32, #tpu.memory_space<hbm>>
      %dma_wait3A_56 = arith.constant 0 : i32
      %dma_wait3A_57 = tpu.memref_slice %arg12[%mul3A_46, %dma_wait3A_56] : memref<5248x48xf32, #tpu.memory_space<vmem_shared>> -> memref<320x48xf32, #tpu.memory_space<vmem_shared>>
      tpu.wait_dma2 semaphore(%run_scoped3A : memref<!tpu.dma_semaphore, #tpu.memory_space<semaphore_mem>>) src(%dma_wait3A_57 : memref<320x48xf32, #tpu.memory_space<vmem_shared>>) dst(%dma_wait3A_55 : memref<320x48xf32, #tpu.memory_space<hbm>>)
      tpu.yield
    }) : () -> ()
    return
  }
}

module attributes {stable_mosaic.version = 14 : i64} {
  func.func @_h_body(%arg0: i32, %arg1: memref<2000x128xf32, #tpu.memory_space<vmem>>, %arg2: memref<128x32xf32, #tpu.memory_space<vmem>>, %arg3: memref<1x32xf32, #tpu.memory_space<vmem>>, %arg4: memref<2000x32xf32, #tpu.memory_space<vmem>>) attributes {dimension_semantics = [#tpu.dimension_semantics<arbitrary>], iteration_bounds = array<i64: 5>, scalar_prefetch = 0 : i64, scratch_operands = 0 : i64, tpu.core_type = #tpu.core_type<tc>, window_params = [{transform_indices = @transform_0, window_bounds = array<i64: 2000, 128>}, {pipeline_mode = #tpu.pipeline_mode<synchronous>, transform_indices = @transform_1, window_bounds = array<i64: 128, 32>}, {pipeline_mode = #tpu.pipeline_mode<synchronous>, transform_indices = @transform_2, window_bounds = array<i64: 1, 32>}, {transform_indices = @transform_3, window_bounds = array<i64: 2000, 32>}]} {
    %get3A = arith.constant 0 : index
    %get3A_0 = arith.constant 0 : index
    %get3A_1 = vector.load %arg1[%get3A, %get3A_0] : memref<2000x128xf32, #tpu.memory_space<vmem>>, vector<2000x128xf32>
    %get3A_2 = arith.constant 0 : index
    %get3A_3 = arith.constant 0 : index
    %get3A_4 = vector.load %arg2[%get3A_2, %get3A_3] : memref<128x32xf32, #tpu.memory_space<vmem>>, vector<128x32xf32>
    %dot_general3A = arith.constant dense<0.000000e+00> : vector<2000x32xf32>
    %dot_general3A_5 = tpu.matmul %get3A_1, %get3A_4, %dot_general3A {dimension_numbers = #tpu.dot_dimension_numbers<[1], [0], [0], [1], [0, 0, 1, 1], [], []>, transpose_lhs_hint = false} : vector<2000x128xf32>, vector<128x32xf32>, vector<2000x32xf32> -> vector<2000x32xf32>
    %get3A_6 = arith.constant 0 : index
    %get3A_7 = arith.constant 0 : index
    %get3A_8 = vector.load %arg3[%get3A_6, %get3A_7] : memref<1x32xf32, #tpu.memory_space<vmem>>, vector<1x32xf32>
    %add3A = vector.broadcast %get3A_8 : vector<1x32xf32> to vector<2000x32xf32>
    %add3A_9 = arith.addf %dot_general3A_5, %add3A : vector<2000x32xf32>
    %max3A = arith.constant 0.000000e+00 : f32
    %max3A_10 = vector.broadcast %max3A : f32 to vector<2000x32xf32>
    %max3A_11 = arith.maximumf %add3A_9, %max3A_10 : vector<2000x32xf32>
    %swap3A = arith.constant 0 : index
    %swap3A_12 = arith.constant 0 : index
    %swap3A_13 = vector.load %arg4[%swap3A, %swap3A_12] : memref<2000x32xf32, #tpu.memory_space<vmem>>, vector<2000x32xf32>
    tpu.vector_store %arg4[%swap3A, %swap3A_12], %max3A_11 {strides = array<i32>} : memref<2000x32xf32, #tpu.memory_space<vmem>>, vector<2000x32xf32>,
    return
  }
  func.func @transform_0(%arg0: i32) -> (i32, i32) {
    %c0_i32 = arith.constant 0 : i32
    %c0_i32_0 = arith.constant 0 : i32
    return %arg0, %c0_i32 : i32, i32
  }
  func.func @transform_1(%arg0: i32) -> (i32, i32) {
    %c0_i32 = arith.constant 0 : i32
    %c0_i32_0 = arith.constant 0 : i32
    %c0_i32_1 = arith.constant 0 : i32
    return %c0_i32, %c0_i32_0 : i32, i32
  }
  func.func @transform_2(%arg0: i32) -> (i32, i32) {
    %c0_i32 = arith.constant 0 : i32
    %c0_i32_0 = arith.constant 0 : i32
    %c0_i32_1 = arith.constant 0 : i32
    return %c0_i32, %c0_i32_0 : i32, i32
  }
  func.func @transform_3(%arg0: i32) -> (i32, i32) {
    %c0_i32 = arith.constant 0 : i32
    %c0_i32_0 = arith.constant 0 : i32
    return %arg0, %c0_i32 : i32, i32
  }
}

module attributes {stable_mosaic.version = 14 : i64} {
  func.func @_msg_body(%arg0: i32, %arg1: memref<2000x17xbf16, #tpu.memory_space<vmem>>, %arg2: memref<2000x128xf32, #tpu.memory_space<vmem>>, %arg3: memref<17x1024xbf16, #tpu.memory_space<vmem>>, %arg4: memref<1024x32xbf16, #tpu.memory_space<vmem>>, %arg5: memref<32x32xf32, #tpu.memory_space<vmem>>, %arg6: memref<2000x128xf32, #tpu.memory_space<vmem>>) attributes {dimension_semantics = [#tpu.dimension_semantics<arbitrary>], iteration_bounds = array<i64: 80>, scalar_prefetch = 0 : i64, scratch_operands = 0 : i64, tpu.core_type = #tpu.core_type<tc>, window_params = [{transform_indices = @transform_0, window_bounds = array<i64: 2000, 17>}, {transform_indices = @transform_1, window_bounds = array<i64: 2000, 128>}, {pipeline_mode = #tpu.pipeline_mode<synchronous>, transform_indices = @transform_2, window_bounds = array<i64: 17, 1024>}, {pipeline_mode = #tpu.pipeline_mode<synchronous>, transform_indices = @transform_3, window_bounds = array<i64: 1024, 32>}, {pipeline_mode = #tpu.pipeline_mode<synchronous>, transform_indices = @transform_4, window_bounds = array<i64: 32, 32>}, {transform_indices = @transform_5, window_bounds = array<i64: 2000, 128>}]} {
    %get3A = arith.constant 0 : index
    %get3A_0 = arith.constant 0 : index
    %get3A_1 = vector.load %arg1[%get3A, %get3A_0] : memref<2000x17xbf16, #tpu.memory_space<vmem>>, vector<2000x17xbf16>
    %get3A_2 = arith.constant 0 : index
    %get3A_3 = arith.constant 0 : index
    %get3A_4 = vector.load %arg3[%get3A_2, %get3A_3] : memref<17x1024xbf16, #tpu.memory_space<vmem>>, vector<17x1024xbf16>
    %dot_general3A = arith.constant dense<0.000000e+00> : vector<2000x1024xf32>
    %dot_general3A_5 = tpu.matmul %get3A_1, %get3A_4, %dot_general3A {dimension_numbers = #tpu.dot_dimension_numbers<[1], [0], [0], [1], [0, 0, 1, 1], [], []>, transpose_lhs_hint = false} : vector<2000x17xbf16>, vector<17x1024xbf16>, vector<2000x1024xf32> -> vector<2000x1024xf32>
    %convert_element_type3A = arith.truncf %dot_general3A_5 : vector<2000x1024xf32> to vector<2000x1024xbf16>
    %max3A = arith.constant 0.000000e+00 : bf16
    %max3A_6 = vector.broadcast %max3A : bf16 to vector<2000x1024xbf16>
    %max3A_7 = arith.maximumf %convert_element_type3A, %max3A_6 : vector<2000x1024xbf16>
    %get3A_8 = arith.constant 0 : index
    %get3A_9 = arith.constant 0 : index
    %get3A_10 = vector.load %arg2[%get3A_8, %get3A_9] : memref<2000x128xf32, #tpu.memory_space<vmem>>, vector<2000x32xf32>
    %convert_element_type3A_11 = arith.truncf %get3A_10 : vector<2000x32xf32> to vector<2000x32xbf16>
    %tile3A = tpu.concatenate %convert_element_type3A_11, %convert_element_type3A_11, %convert_element_type3A_11, %convert_element_type3A_11, %convert_element_type3A_11, %convert_element_type3A_11, %convert_element_type3A_11, %convert_element_type3A_11, %convert_element_type3A_11, %convert_element_type3A_11, %convert_element_type3A_11, %convert_element_type3A_11, %convert_element_type3A_11, %convert_element_type3A_11, %convert_element_type3A_11, %convert_element_type3A_11, %convert_element_type3A_11, %convert_element_type3A_11, %convert_element_type3A_11, %convert_element_type3A_11, %convert_element_type3A_11, %convert_element_type3A_11, %convert_element_type3A_11, %convert_element_type3A_11, %convert_element_type3A_11, %convert_element_type3A_11, %convert_element_type3A_11, %convert_element_type3A_11, %convert_element_type3A_11, %convert_element_type3A_11, %convert_element_type3A_11, %convert_element_type3A_11 in 1 : vector<2000x32xbf16>, vector<2000x32xbf16>, vector<2000x32xbf16>, vector<2000x32xbf16>, vector<2000x32xbf16>, vector<2000x32xbf16>, vector<2000x32xbf16>, vector<2000x32xbf16>, vector<2000x32xbf16>, vector<2000x32xbf16>, vector<2000x32xbf16>, vector<2000x32xbf16>, vector<2000x32xbf16>, vector<2000x32xbf16>, vector<2000x32xbf16>, vector<2000x32xbf16>, vector<2000x32xbf16>, vector<2000x32xbf16>, vector<2000x32xbf16>, vector<2000x32xbf16>, vector<2000x32xbf16>, vector<2000x32xbf16>, vector<2000x32xbf16>, vector<2000x32xbf16>, vector<2000x32xbf16>, vector<2000x32xbf16>, vector<2000x32xbf16>, vector<2000x32xbf16>, vector<2000x32xbf16>, vector<2000x32xbf16>, vector<2000x32xbf16>, vector<2000x32xbf16> -> vector<2000x1024xbf16>
    %mul3A = arith.mulf %max3A_7, %tile3A : vector<2000x1024xbf16>
    %get3A_12 = arith.constant 0 : index
    %get3A_13 = arith.constant 0 : index
    %get3A_14 = vector.load %arg4[%get3A_12, %get3A_13] : memref<1024x32xbf16, #tpu.memory_space<vmem>>, vector<1024x32xbf16>
    %dot_general3A_15 = arith.constant dense<0.000000e+00> : vector<2000x32xf32>
    %dot_general3A_16 = tpu.matmul %mul3A, %get3A_14, %dot_general3A_15 {dimension_numbers = #tpu.dot_dimension_numbers<[1], [0], [0], [1], [0, 0, 1, 1], [], []>, transpose_lhs_hint = false} : vector<2000x1024xbf16>, vector<1024x32xbf16>, vector<2000x32xf32> -> vector<2000x32xf32>
    %get3A_17 = arith.constant 0 : index
    %get3A_18 = arith.constant 0 : index
    %get3A_19 = vector.load %arg5[%get3A_17, %get3A_18] : memref<32x32xf32, #tpu.memory_space<vmem>>, vector<32x32xf32>
    %dot_general3A_20 = arith.constant dense<0.000000e+00> : vector<2000x32xf32>
    %dot_general3A_21 = tpu.matmul %get3A_10, %get3A_19, %dot_general3A_20 {dimension_numbers = #tpu.dot_dimension_numbers<[1], [0], [0], [1], [0, 0, 1, 1], [], []>, transpose_lhs_hint = false} : vector<2000x32xf32>, vector<32x32xf32>, vector<2000x32xf32> -> vector<2000x32xf32>
    %add3A = arith.addf %dot_general3A_16, %dot_general3A_21 : vector<2000x32xf32>
    %broadcast_in_dim3A = arith.constant 1.000000e+00 : f32
    %broadcast_in_dim3A_22 = vector.broadcast %broadcast_in_dim3A : f32 to vector<2000x1xf32>
    %broadcast_in_dim3A_23 = arith.constant 0.000000e+00 : f32
    %broadcast_in_dim3A_24 = vector.broadcast %broadcast_in_dim3A_23 : f32 to vector<2000x95xf32>
    %concatenate3A = tpu.concatenate %add3A, %broadcast_in_dim3A_22, %broadcast_in_dim3A_24 in 1 : vector<2000x32xf32>, vector<2000x1xf32>, vector<2000x95xf32> -> vector<2000x128xf32>
    %swap3A = arith.constant 0 : index
    %swap3A_25 = arith.constant 0 : index
    %swap3A_26 = vector.load %arg6[%swap3A, %swap3A_25] : memref<2000x128xf32, #tpu.memory_space<vmem>>, vector<2000x128xf32>
    tpu.vector_store %arg6[%swap3A, %swap3A_25], %concatenate3A {strides = array<i32>} : memref<2000x128xf32, #tpu.memory_space<vmem>>, vector<2000x128xf32>,
    return
  }
  func.func @transform_0(%arg0: i32) -> (i32, i32) {
    %c0_i32 = arith.constant 0 : i32
    %c0_i32_0 = arith.constant 0 : i32
    return %arg0, %c0_i32 : i32, i32
  }
  func.func @transform_1(%arg0: i32) -> (i32, i32) {
    %c0_i32 = arith.constant 0 : i32
    %c0_i32_0 = arith.constant 0 : i32
    return %arg0, %c0_i32 : i32, i32
  }
  func.func @transform_2(%arg0: i32) -> (i32, i32) {
    %c0_i32 = arith.constant 0 : i32
    %c0_i32_0 = arith.constant 0 : i32
    %c0_i32_1 = arith.constant 0 : i32
    return %c0_i32, %c0_i32_0 : i32, i32
  }
  func.func @transform_3(%arg0: i32) -> (i32, i32) {
    %c0_i32 = arith.constant 0 : i32
    %c0_i32_0 = arith.constant 0 : i32
    %c0_i32_1 = arith.constant 0 : i32
    return %c0_i32, %c0_i32_0 : i32, i32
  }
  func.func @transform_4(%arg0: i32) -> (i32, i32) {
    %c0_i32 = arith.constant 0 : i32
    %c0_i32_0 = arith.constant 0 : i32
    %c0_i32_1 = arith.constant 0 : i32
    return %c0_i32, %c0_i32_0 : i32, i32
  }
  func.func @transform_5(%arg0: i32) -> (i32, i32) {
    %c0_i32 = arith.constant 0 : i32
    %c0_i32_0 = arith.constant 0 : i32
    return %arg0, %c0_i32 : i32, i32
  }
}

module attributes {stable_mosaic.version = 14 : i64} {
  func.func @_final_body(%arg0: i32, %arg1: memref<2000x32xf32, #tpu.memory_space<vmem>>, %arg2: memref<2000x128xf32, #tpu.memory_space<vmem>>, %arg3: memref<32x32xf32, #tpu.memory_space<vmem>>, %arg4: memref<1x32xf32, #tpu.memory_space<vmem>>, %arg5: memref<32x32xf32, #tpu.memory_space<vmem>>, %arg6: memref<32x32xf32, #tpu.memory_space<vmem>>, %arg7: memref<32x32xf32, #tpu.memory_space<vmem>>, %arg8: memref<32x32xf32, #tpu.memory_space<vmem>>, %arg9: memref<32x32xf32, #tpu.memory_space<vmem>>, %arg10: memref<32x32xf32, #tpu.memory_space<vmem>>, %arg11: memref<1x32xf32, #tpu.memory_space<vmem>>, %arg12: memref<1x32xf32, #tpu.memory_space<vmem>>, %arg13: memref<1x32xf32, #tpu.memory_space<vmem>>, %arg14: memref<1x32xf32, #tpu.memory_space<vmem>>, %arg15: memref<2000x32xf32, #tpu.memory_space<vmem>>) attributes {dimension_semantics = [#tpu.dimension_semantics<arbitrary>], iteration_bounds = array<i64: 5>, scalar_prefetch = 0 : i64, scratch_operands = 0 : i64, tpu.core_type = #tpu.core_type<tc>, window_params = [{transform_indices = @transform_0, window_bounds = array<i64: 2000, 32>}, {transform_indices = @transform_1, window_bounds = array<i64: 2000, 128>}, {pipeline_mode = #tpu.pipeline_mode<synchronous>, transform_indices = @transform_2, window_bounds = array<i64: 32, 32>}, {pipeline_mode = #tpu.pipeline_mode<synchronous>, transform_indices = @transform_3, window_bounds = array<i64: 1, 32>}, {pipeline_mode = #tpu.pipeline_mode<synchronous>, transform_indices = @transform_4, window_bounds = array<i64: 32, 32>}, {pipeline_mode = #tpu.pipeline_mode<synchronous>, transform_indices = @transform_5, window_bounds = array<i64: 32, 32>}, {pipeline_mode = #tpu.pipeline_mode<synchronous>, transform_indices = @transform_6, window_bounds = array<i64: 32, 32>}, {pipeline_mode = #tpu.pipeline_mode<synchronous>, transform_indices = @transform_7, window_bounds = array<i64: 32, 32>}, {pipeline_mode = #tpu.pipeline_mode<synchronous>, transform_indices = @transform_8, window_bounds = array<i64: 32, 32>}, {pipeline_mode = #tpu.pipeline_mode<synchronous>, transform_indices = @transform_9, window_bounds = array<i64: 32, 32>}, {pipeline_mode = #tpu.pipeline_mode<synchronous>, transform_indices = @transform_10, window_bounds = array<i64: 1, 32>}, {pipeline_mode = #tpu.pipeline_mode<synchronous>, transform_indices = @transform_11, window_bounds = array<i64: 1, 32>}, {pipeline_mode = #tpu.pipeline_mode<synchronous>, transform_indices = @transform_12, window_bounds = array<i64: 1, 32>}, {pipeline_mode = #tpu.pipeline_mode<synchronous>, transform_indices = @transform_13, window_bounds = array<i64: 1, 32>}, {transform_indices = @transform_14, window_bounds = array<i64: 2000, 32>}]} {
    %get3A = arith.constant 0 : index
    %get3A_0 = arith.constant 0 : index
    %get3A_1 = vector.load %arg1[%get3A, %get3A_0] : memref<2000x32xf32, #tpu.memory_space<vmem>>, vector<2000x32xf32>
    %get3A_2 = arith.constant 0 : index
    %get3A_3 = arith.constant 0 : index
    %get3A_4 = vector.load %arg2[%get3A_2, %get3A_3] : memref<2000x128xf32, #tpu.memory_space<vmem>>, vector<2000x128xf32>
    %slice3A = vector.extract_strided_slice %get3A_4 {offsets = [0, 32], sizes = [2000, 1], strides = [1, 1]} : vector<2000x128xf32> to vector<2000x1xf32>
    %max3A = arith.constant 1.000000e+00 : f32
    %max3A_5 = vector.broadcast %max3A : f32 to vector<2000x1xf32>
    %max3A_6 = arith.maximumf %slice3A, %max3A_5 : vector<2000x1xf32>
    %slice3A_7 = vector.extract_strided_slice %get3A_4 {offsets = [0, 0], sizes = [2000, 32], strides = [1, 1]} : vector<2000x128xf32> to vector<2000x32xf32>
    %div3A = vector.broadcast %max3A_6 : vector<2000x1xf32> to vector<2000x32xf32>
    %div3A_8 = arith.divf %slice3A_7, %div3A : vector<2000x32xf32>
    %get3A_9 = arith.constant 0 : index
    %get3A_10 = arith.constant 0 : index
    %get3A_11 = vector.load %arg3[%get3A_9, %get3A_10] : memref<32x32xf32, #tpu.memory_space<vmem>>, vector<32x32xf32>
    %dot_general3A = arith.constant dense<0.000000e+00> : vector<2000x32xf32>
    %dot_general3A_12 = tpu.matmul %get3A_1, %get3A_11, %dot_general3A {dimension_numbers = #tpu.dot_dimension_numbers<[1], [0], [0], [1], [0, 0, 1, 1], [], []>, transpose_lhs_hint = false} : vector<2000x32xf32>, vector<32x32xf32>, vector<2000x32xf32> -> vector<2000x32xf32>
    %add3A = arith.addf %div3A_8, %dot_general3A_12 : vector<2000x32xf32>
    %get3A_13 = arith.constant 0 : index
    %get3A_14 = arith.constant 0 : index
    %get3A_15 = vector.load %arg4[%get3A_13, %get3A_14] : memref<1x32xf32, #tpu.memory_space<vmem>>, vector<1x32xf32>
    %add3A_16 = vector.broadcast %get3A_15 : vector<1x32xf32> to vector<2000x32xf32>
    %add3A_17 = arith.addf %add3A, %add3A_16 : vector<2000x32xf32>
    %max3A_18 = arith.constant 0.000000e+00 : f32
    %max3A_19 = vector.broadcast %max3A_18 : f32 to vector<2000x32xf32>
    %max3A_20 = arith.maximumf %add3A_17, %max3A_19 : vector<2000x32xf32>
    %get3A_21 = arith.constant 0 : index
    %get3A_22 = arith.constant 0 : index
    %get3A_23 = vector.load %arg5[%get3A_21, %get3A_22] : memref<32x32xf32, #tpu.memory_space<vmem>>, vector<32x32xf32>
    %dot_general3A_24 = arith.constant dense<0.000000e+00> : vector<2000x32xf32>
    %dot_general3A_25 = tpu.matmul %max3A_20, %get3A_23, %dot_general3A_24 {dimension_numbers = #tpu.dot_dimension_numbers<[1], [0], [0], [1], [0, 0, 1, 1], [], []>, transpose_lhs_hint = false} : vector<2000x32xf32>, vector<32x32xf32>, vector<2000x32xf32> -> vector<2000x32xf32>
    %get3A_26 = arith.constant 0 : index
    %get3A_27 = arith.constant 0 : index
    %get3A_28 = vector.load %arg8[%get3A_26, %get3A_27] : memref<32x32xf32, #tpu.memory_space<vmem>>, vector<32x32xf32>
    %dot_general3A_29 = arith.constant dense<0.000000e+00> : vector<2000x32xf32>
    %dot_general3A_30 = tpu.matmul %get3A_1, %get3A_28, %dot_general3A_29 {dimension_numbers = #tpu.dot_dimension_numbers<[1], [0], [0], [1], [0, 0, 1, 1], [], []>, transpose_lhs_hint = false} : vector<2000x32xf32>, vector<32x32xf32>, vector<2000x32xf32> -> vector<2000x32xf32>
    %add3A_31 = arith.addf %dot_general3A_25, %dot_general3A_30 : vector<2000x32xf32>
    %get3A_32 = arith.constant 0 : index
    %get3A_33 = arith.constant 0 : index
    %get3A_34 = vector.load %arg11[%get3A_32, %get3A_33] : memref<1x32xf32, #tpu.memory_space<vmem>>, vector<1x32xf32>
    %add3A_35 = vector.broadcast %get3A_34 : vector<1x32xf32> to vector<2000x32xf32>
    %add3A_36 = arith.addf %add3A_31, %add3A_35 : vector<2000x32xf32>
    %logistic3A = arith.negf %add3A_36 : vector<2000x32xf32>
    %logistic3A_37 = math.exp %logistic3A : vector<2000x32xf32>
    %logistic3A_38 = arith.constant 1.000000e+00 : f32
    %logistic3A_39 = vector.broadcast %logistic3A_38 : f32 to vector<2000x32xf32>
    %logistic3A_40 = arith.addf %logistic3A_39, %logistic3A_37 : vector<2000x32xf32>
    %logistic3A_41 = arith.divf %logistic3A_39, %logistic3A_40 : vector<2000x32xf32>
    %get3A_42 = arith.constant 0 : index
    %get3A_43 = arith.constant 0 : index
    %get3A_44 = vector.load %arg6[%get3A_42, %get3A_43] : memref<32x32xf32, #tpu.memory_space<vmem>>, vector<32x32xf32>
    %dot_general3A_45 = arith.constant dense<0.000000e+00> : vector<2000x32xf32>
    %dot_general3A_46 = tpu.matmul %max3A_20, %get3A_44, %dot_general3A_45 {dimension_numbers = #tpu.dot_dimension_numbers<[1], [0], [0], [1], [0, 0, 1, 1], [], []>, transpose_lhs_hint = false} : vector<2000x32xf32>, vector<32x32xf32>, vector<2000x32xf32> -> vector<2000x32xf32>
    %get3A_47 = arith.constant 0 : index
    %get3A_48 = arith.constant 0 : index
    %get3A_49 = vector.load %arg9[%get3A_47, %get3A_48] : memref<32x32xf32, #tpu.memory_space<vmem>>, vector<32x32xf32>
    %dot_general3A_50 = arith.constant dense<0.000000e+00> : vector<2000x32xf32>
    %dot_general3A_51 = tpu.matmul %get3A_1, %get3A_49, %dot_general3A_50 {dimension_numbers = #tpu.dot_dimension_numbers<[1], [0], [0], [1], [0, 0, 1, 1], [], []>, transpose_lhs_hint = false} : vector<2000x32xf32>, vector<32x32xf32>, vector<2000x32xf32> -> vector<2000x32xf32>
    %add3A_52 = arith.addf %dot_general3A_46, %dot_general3A_51 : vector<2000x32xf32>
    %get3A_53 = arith.constant 0 : index
    %get3A_54 = arith.constant 0 : index
    %get3A_55 = vector.load %arg12[%get3A_53, %get3A_54] : memref<1x32xf32, #tpu.memory_space<vmem>>, vector<1x32xf32>
    %add3A_56 = vector.broadcast %get3A_55 : vector<1x32xf32> to vector<2000x32xf32>
    %add3A_57 = arith.addf %add3A_52, %add3A_56 : vector<2000x32xf32>
    %logistic3A_58 = arith.negf %add3A_57 : vector<2000x32xf32>
    %logistic3A_59 = math.exp %logistic3A_58 : vector<2000x32xf32>
    %logistic3A_60 = arith.constant 1.000000e+00 : f32
    %logistic3A_61 = vector.broadcast %logistic3A_60 : f32 to vector<2000x32xf32>
    %logistic3A_62 = arith.addf %logistic3A_61, %logistic3A_59 : vector<2000x32xf32>
    %logistic3A_63 = arith.divf %logistic3A_61, %logistic3A_62 : vector<2000x32xf32>
    %get3A_64 = arith.constant 0 : index
    %get3A_65 = arith.constant 0 : index
    %get3A_66 = vector.load %arg7[%get3A_64, %get3A_65] : memref<32x32xf32, #tpu.memory_space<vmem>>, vector<32x32xf32>
    %dot_general3A_67 = arith.constant dense<0.000000e+00> : vector<2000x32xf32>
    %dot_general3A_68 = tpu.matmul %max3A_20, %get3A_66, %dot_general3A_67 {dimension_numbers = #tpu.dot_dimension_numbers<[1], [0], [0], [1], [0, 0, 1, 1], [], []>, transpose_lhs_hint = false} : vector<2000x32xf32>, vector<32x32xf32>, vector<2000x32xf32> -> vector<2000x32xf32>
    %get3A_69 = arith.constant 0 : index
    %get3A_70 = arith.constant 0 : index
    %get3A_71 = vector.load %arg13[%get3A_69, %get3A_70] : memref<1x32xf32, #tpu.memory_space<vmem>>, vector<1x32xf32>
    %add3A_72 = vector.broadcast %get3A_71 : vector<1x32xf32> to vector<2000x32xf32>
    %add3A_73 = arith.addf %dot_general3A_68, %add3A_72 : vector<2000x32xf32>
    %get3A_74 = arith.constant 0 : index
    %get3A_75 = arith.constant 0 : index
    %get3A_76 = vector.load %arg10[%get3A_74, %get3A_75] : memref<32x32xf32, #tpu.memory_space<vmem>>, vector<32x32xf32>
    %dot_general3A_77 = arith.constant dense<0.000000e+00> : vector<2000x32xf32>
    %dot_general3A_78 = tpu.matmul %get3A_1, %get3A_76, %dot_general3A_77 {dimension_numbers = #tpu.dot_dimension_numbers<[1], [0], [0], [1], [0, 0, 1, 1], [], []>, transpose_lhs_hint = false} : vector<2000x32xf32>, vector<32x32xf32>, vector<2000x32xf32> -> vector<2000x32xf32>
    %get3A_79 = arith.constant 0 : index
    %get3A_80 = arith.constant 0 : index
    %get3A_81 = vector.load %arg14[%get3A_79, %get3A_80] : memref<1x32xf32, #tpu.memory_space<vmem>>, vector<1x32xf32>
    %add3A_82 = vector.broadcast %get3A_81 : vector<1x32xf32> to vector<2000x32xf32>
    %add3A_83 = arith.addf %dot_general3A_78, %add3A_82 : vector<2000x32xf32>
    %mul3A = arith.mulf %logistic3A_41, %add3A_83 : vector<2000x32xf32>
    %add3A_84 = arith.addf %add3A_73, %mul3A : vector<2000x32xf32>
    %tanh3A = math.tanh %add3A_84 : vector<2000x32xf32>
    %sub3A = arith.constant 1.000000e+00 : f32
    %sub3A_85 = vector.broadcast %sub3A : f32 to vector<2000x32xf32>
    %sub3A_86 = arith.subf %sub3A_85, %logistic3A_63 : vector<2000x32xf32>
    %mul3A_87 = arith.mulf %sub3A_86, %tanh3A : vector<2000x32xf32>
    %mul3A_88 = arith.mulf %logistic3A_63, %get3A_1 : vector<2000x32xf32>
    %add3A_89 = arith.addf %mul3A_87, %mul3A_88 : vector<2000x32xf32>
    %swap3A = arith.constant 0 : index
    %swap3A_90 = arith.constant 0 : index
    %swap3A_91 = vector.load %arg15[%swap3A, %swap3A_90] : memref<2000x32xf32, #tpu.memory_space<vmem>>, vector<2000x32xf32>
    tpu.vector_store %arg15[%swap3A, %swap3A_90], %add3A_89 {strides = array<i32>} : memref<2000x32xf32, #tpu.memory_space<vmem>>, vector<2000x32xf32>,
    return
  }
  func.func @transform_0(%arg0: i32) -> (i32, i32) {
    %c0_i32 = arith.constant 0 : i32
    %c0_i32_0 = arith.constant 0 : i32
    return %arg0, %c0_i32 : i32, i32
  }
  func.func @transform_1(%arg0: i32) -> (i32, i32) {
    %c0_i32 = arith.constant 0 : i32
    %c0_i32_0 = arith.constant 0 : i32
    return %arg0, %c0_i32 : i32, i32
  }
  func.func @transform_2(%arg0: i32) -> (i32, i32) {
    %c0_i32 = arith.constant 0 : i32
    %c0_i32_0 = arith.constant 0 : i32
    %c0_i32_1 = arith.constant 0 : i32
    return %c0_i32, %c0_i32_0 : i32, i32
  }
  func.func @transform_3(%arg0: i32) -> (i32, i32) {
    %c0_i32 = arith.constant 0 : i32
    %c0_i32_0 = arith.constant 0 : i32
    %c0_i32_1 = arith.constant 0 : i32
    return %c0_i32, %c0_i32_0 : i32, i32
  }
  func.func @transform_4(%arg0: i32) -> (i32, i32) {
    %c0_i32 = arith.constant 0 : i32
    %c0_i32_0 = arith.constant 0 : i32
    %c0_i32_1 = arith.constant 0 : i32
    return %c0_i32, %c0_i32_0 : i32, i32
  }
  func.func @transform_5(%arg0: i32) -> (i32, i32) {
    %c0_i32 = arith.constant 0 : i32
    %c0_i32_0 = arith.constant 0 : i32
    %c0_i32_1 = arith.constant 0 : i32
    return %c0_i32, %c0_i32_0 : i32, i32
  }
  func.func @transform_6(%arg0: i32) -> (i32, i32) {
    %c0_i32 = arith.constant 0 : i32
    %c0_i32_0 = arith.constant 0 : i32
    %c0_i32_1 = arith.constant 0 : i32
    return %c0_i32, %c0_i32_0 : i32, i32
  }
  func.func @transform_7(%arg0: i32) -> (i32, i32) {
    %c0_i32 = arith.constant 0 : i32
    %c0_i32_0 = arith.constant 0 : i32
    %c0_i32_1 = arith.constant 0 : i32
    return %c0_i32, %c0_i32_0 : i32, i32
  }
  func.func @transform_8(%arg0: i32) -> (i32, i32) {
    %c0_i32 = arith.constant 0 : i32
    %c0_i32_0 = arith.constant 0 : i32
    %c0_i32_1 = arith.constant 0 : i32
    return %c0_i32, %c0_i32_0 : i32, i32
  }
  func.func @transform_9(%arg0: i32) -> (i32, i32) {
    %c0_i32 = arith.constant 0 : i32
    %c0_i32_0 = arith.constant 0 : i32
    %c0_i32_1 = arith.constant 0 : i32
    return %c0_i32, %c0_i32_0 : i32, i32
  }
  func.func @transform_10(%arg0: i32) -> (i32, i32) {
    %c0_i32 = arith.constant 0 : i32
    %c0_i32_0 = arith.constant 0 : i32
    %c0_i32_1 = arith.constant 0 : i32
    return %c0_i32, %c0_i32_0 : i32, i32
  }
  func.func @transform_11(%arg0: i32) -> (i32, i32) {
    %c0_i32 = arith.constant 0 : i32
    %c0_i32_0 = arith.constant 0 : i32
    %c0_i32_1 = arith.constant 0 : i32
    return %c0_i32, %c0_i32_0 : i32, i32
  }
  func.func @transform_12(%arg0: i32) -> (i32, i32) {
    %c0_i32 = arith.constant 0 : i32
    %c0_i32_0 = arith.constant 0 : i32
    %c0_i32_1 = arith.constant 0 : i32
    return %c0_i32, %c0_i32_0 : i32, i32
  }
  func.func @transform_13(%arg0: i32) -> (i32, i32) {
    %c0_i32 = arith.constant 0 : i32
    %c0_i32_0 = arith.constant 0 : i32
    %c0_i32_1 = arith.constant 0 : i32
    return %c0_i32, %c0_i32_0 : i32, i32
  }
  func.func @transform_14(%arg0: i32) -> (i32, i32) {
    %c0_i32 = arith.constant 0 : i32
    %c0_i32_0 = arith.constant 0 : i32
    return %arg0, %c0_i32 : i32, i32
  }
}

</mosaic_0001>

<sc_bundles>
// kernel: kernel.10.cloned.1.call-start
scs
__scs_entry_jumppad:
0x0: {  	(pc) =	sbr.rel $0x88, $3  }
0x1: {  	(tag) =	ssettag $0x0;
	lr =	simm.s32 $0x1  }
0x2: {  	[smem:$0x3F92] =	sst lr;
	_ =	strace $0xD0000000  }
0x3: {  	_ = 	snop  }
0x4: {  	_ = 	snop  }
0x5: {  	_ = 	snop  }
0x6: {  	_ = 	snop  }
0x7: {  	_ = 	snop  }
__scs_overlays_trampoline_lowered:
0x8: {  	[smem:$0x3FA1] =	sst s0  }
0x9: {  	[smem:$0x3FA2] =	sst s1  }
0xa: {  	[smem:$0x3FA3] =	sst s2  }
0xb: {  	[smem:$0x3FA4] =	sst s3  }
0xc: {  	[smem:$0x3FA5] =	sst s4  }
0xd: {  	[smem:$0x3FA6] =	sst s5  }
0xe: {  	[smem:$0x3FA7] =	sst s6  }
0xf: {  	[smem:$0x3FA8] =	sst s7  }
0x10: {  	[smem:$0x3FA9] =	sst s8  }
0x11: {  	[smem:$0x3FAA] =	sst s9;
	s0 =	simm.s32 @!p0 $0x0  }
0x12: {  	s1 =	sld [smem:$0x3F90];
	s0 =	simm.s32 @p0 $0x1  }
0x13: {  	[smem:$0x3FAB] =	sst s0;
	s0 =	simm.s32 @!p1 $0x0  }
0x14: {  	s2 =	sld [smem:$0x3F8F];
	s0 =	simm.s32 @p1 $0x1  }
0x15: {  	[smem:$0x3FAC] =	sst s0;
	s0 =	simm.s32 @!p2 $0x0  }
0x16: {  	s3 =	sld [smem:$0x3FDB];
	s0 =	simm.s32 @p2 $0x1  }
0x17: {  	s4 =	simm.s32 $0x1BF5;
	[smem:$0x3FAE] =	sst s0  }
0x18: {  	s0 =	sld [smem:$0x3F91];
	_ =	swait.ge [sflag:s4], $0x0  }
0x19: {  	s7 =	sld [smem:$0x3F92]  }
0x1a: {  	s8 =	sadd.s32 $0xFFFFE003, lr  }
0x1b: {  	s9 =	sadd.s32 $0xFFFFFEF7, lr;
	s5 =	simm.s32 $0xFFFFFFFF;
	p2 =	slt.u32 s8, $0xFFFFF086  }
0x1c: {  	p1 =	slt.u32 s9, $0xF7A;
	s5 =	simm.s32 @!p2 $0x0  }
0x1d: {  	s5 =	simm.s32 @p1 $0x1;
	p0 =	seq.s32 s7, s2  }
0x1e: {  	s7 =	smul.u32 @!p0 $0xF7A, s2;
	p2 =	seq.s32 @!p0 s5, $0x0  }
0x1f: {  	s9 =	smul.u32 $0xF7A, s1;
	s8 =	simm.s32 @!p0 $0x1BF5;
	p2 =	por !p2, p0  }
0x20: {  	[sflag:s8] =	ssyncset.s32 @!p0 $0xFFFFF086;
	s6 =	sadd.s32 @!p0 s3, s7;
	s7 =	simm.s32 @!p0 $0x108  }
0x21: {  	s3 =	sadd.s32 s3, s9;
	s6 =	sadd.s32 @!p0 $0x88, s6;
	s7 =	simm.s32 @p2 $0x1082  }
0x22: {  	[simem:s7], [sflag:s8] =	dma.local @!p0 [hbm:s6], $0xF7A  }
0x23: {  	s9 =	sor.u32 $0xD0000000, s2;
	s6 =	simm.s32 $0x108;
	_ =	swait.ge @!p0 [sflag:s8], $0x0  }
0x24: {  	s3 =	sadd.s32 $0x88, s3;
	s6 =	simm.s32 @!p1 $0x1082;
	[sflag:s4] =	ssyncset.s32 $0xFFFFF086  }
0x25: {  	[simem:s6], [sflag:s4] =	dma.local [hbm:s3], $0xF7A  }
0x26: {  	[smem:$0x3F92] =	sst s1;
	(tag) =	ssettag s2;
	_ =	strace s9  }
0x27: {  	s1 =	sld [smem:$0x3FA2]  }
0x28: {  	s2 =	sld [smem:$0x3FA3]  }
0x29: {  	s4 =	sld [smem:$0x3FA5]  }
0x2a: {  	p0 =	seq.s32 s5, $0x0;
	s5 =	sld [smem:$0x3FA6]  }
0x2b: {  	s6 =	sld [smem:$0x3FA7]  }
0x2c: {  	s7 =	sld [smem:$0x3FA8]  }
0x2d: {  	s3 =	simm.s32 $0x108;
	s8 =	sld [smem:$0x3FA9]  }
0x2e: {  	s3 =	simm.s32 @!p0 $0x1082;
	s9 =	sld [smem:$0x3FAA]  }
0x2f: {  	lr =	sadd.s32 s0, s3;
	s0 =	sld [smem:$0x3FA1]  }
0x30: {  	s3 =	sld [smem:$0x3FA4]  }
0x31: {  	[smem:$0x3FAD] =	sst s10  }
0x32: {  	s10 =	sld [smem:$0x3FAB];
	_ =	sdelay $0x3  }
0x33: {  	p0 =	seq.s32 s10, $0x1;
	s10 =	sld [smem:$0x3FAD];
	_ =	sdelay $0x3  }
0x34: {  	[smem:$0x3FAD] =	sst s10  }
0x35: {  	s10 =	sld [smem:$0x3FAC];
	_ =	sdelay $0x3  }
0x36: {  	p1 =	seq.s32 s10, $0x1;
	s10 =	sld [smem:$0x3FAD];
	_ =	sdelay $0x3  }
0x37: {  	[smem:$0x3FAD] =	sst s10  }
0x38: {  	s10 =	sld [smem:$0x3FAE]  }
0x39: {  	_ = 	snop;
	(pc) =	sbr.ind lr, $3  }
0x3a: {  	_ = 	snop  }
0x3b: {  	_ = 	snop  }
0x3c: {  	p2 =	seq.s32 s10, $0x1;
	s10 =	sld [smem:$0x3FAD]  }
0x3d: {  	_ =	shalt  }
0x3e: {  	_ =	shalt  }
0x3f: {  	_ =	shalt  }
0x40: {  	_ =	shalt  }
0x41: {  	_ =	shalt  }
0x42: {  	_ =	shalt  }
0x43: {  	_ =	shalt  }
0x44: {  	_ =	shalt  }
0x45: {  	_ =	shalt  }
0x46: {  	_ =	shalt  }
0x47: {  	_ =	shalt  }
0x48: {  	_ =	shalt  }
0x49: {  	_ =	shalt  }
0x4a: {  	_ =	shalt  }
0x4b: {  	_ =	shalt  }
0x4c: {  	_ =	shalt  }
0x4d: {  	_ =	shalt  }
0x4e: {  	_ =	shalt  }
0x4f: {  	_ =	shalt  }
0x50: {  	_ =	shalt  }
0x51: {  	_ =	shalt  }
0x52: {  	_ =	shalt  }
0x53: {  	_ =	shalt  }
0x54: {  	_ =	shalt  }
0x55: {  	_ =	shalt  }
0x56: {  	_ =	shalt  }
0x57: {  	_ =	shalt  }
0x58: {  	_ =	shalt  }
0x59: {  	_ =	shalt  }
0x5a: {  	_ =	shalt  }
0x5b: {  	_ =	shalt  }
0x5c: {  	_ =	shalt  }
0x5d: {  	_ =	shalt  }
0x5e: {  	_ =	shalt  }
0x5f: {  	_ =	shalt  }
0x60: {  	_ =	shalt  }
0x61: {  	_ =	shalt  }
0x62: {  	_ =	shalt  }
0x63: {  	_ =	shalt  }
0x64: {  	_ =	shalt  }
0x65: {  	_ =	shalt  }
0x66: {  	_ =	shalt  }
0x67: {  	_ =	shalt  }
0x68: {  	_ =	shalt  }
0x69: {  	_ =	shalt  }
0x6a: {  	_ =	shalt  }
0x6b: {  	_ =	shalt  }
0x6c: {  	_ =	shalt  }
0x6d: {  	_ =	shalt  }
0x6e: {  	_ =	shalt  }
0x6f: {  	_ =	shalt  }
0x70: {  	_ =	shalt  }
0x71: {  	_ =	shalt  }
0x72: {  	_ =	shalt  }
0x73: {  	_ =	shalt  }
0x74: {  	_ =	shalt  }
0x75: {  	_ =	shalt  }
0x76: {  	_ =	shalt  }
0x77: {  	_ =	shalt  }
0x78: {  	_ =	shalt  }
0x79: {  	_ =	shalt  }
0x7a: {  	_ =	shalt  }
0x7b: {  	_ =	shalt  }
0x7c: {  	_ =	shalt  }
0x7d: {  	_ =	shalt  }
0x7e: {  	_ =	shalt  }
0x7f: {  	_ =	shalt  }
0x80: {  	_ =	shalt  }
0x81: {  	_ =	shalt  }
0x82: {  	_ =	shalt  }
0x83: {  	_ =	shalt  }
0x84: {  	_ =	shalt  }
0x85: {  	_ =	shalt  }
0x86: {  	_ =	shalt  }
0x87: {  	_ =	shalt  }
.Lfunc_end0:
.L_simem_size_0:
called_computation.1_lowered:
.L_overlay_start_0:
0x88: {  	s2 =	sld [smem:$0x3FD9]  }
0x89: {  	s3 =	sld [smem:$0x3FFE];
	_ =	sdelay $0x1  }
0x8a: {  	s1 =	srdreg.scid  }
0x8b: {  	s0 =	sand.u32 $0x1, s1  }
0x8c: {  	s17 =	sshll.u32 s0, $0xA;
	s2 =	sadd.s32 s3, s2  }
0x8d: {  	s2 =	sadd.s32 s2, s17  }
0x8e: {  	[smem:$0x3FB9] =	sst s2  }
0x8f: {  	_ = 	snop  }
0x90: {  	s2 =	sld [smem:$0x3FD0];
	(tm) =	ssettm $0x1  }
0x91: {  	s18 =	sld [smem:$0x3FFB];
	_ =	sdelay $0x3  }
0x92: {  	_ =	strace s18  }
0x93: {  	s3 =	sld [smem:$0x3FFC];
	_ =	sdelay $0x3  }
0x94: {  	_ =	strace s3  }
0x95: {  	s3 =	sld [smem:$0x3FFD];
	_ =	sdelay $0x3  }
0x96: {  	_ =	strace s3  }
0x97: {  	_ =	strace $0x8FFFFFFF  }
0x98: {  	s19 =	sld [smem:$0x3FDB];
	_ =	sdelay $0x1  }
0x99: {  	s4 =	simm.s32 $_scs_section_size  }
0x9a: {  	s5 =	simm.s32 $_size__tile_overlayer_lowered;
	s6 =	simm.s32 $_tile_overlayer_lowered  }
0x9b: {  	s22 =	simm.s32 $0x1BFF;
	s21 =	sshll.u32 s6, $0x1;
	s3 =	sadd.s32 s4, s19  }
0x9c: {  	s7 =	simm.s32 $0x0;
	s20 =	sshll.u32 s5, $0x1;
	s5 =	sadd.s32 s21, s3  }
0x9d: {  	[timem:s7], [sflag:s22] =	dma.local [hbm:s5], s20  }
0x9e: {  	_ =	swait.ge [sflag:s22], s20  }
0x9f: {  	s4 =	ssub.s32 $0x0, s20;
	[sflag:s22] =	ssyncset.done $0x0  }
0xa0: {  	[sflag:s22] =	ssyncadd.s32 s4;
	_ =	sdelay $0x1  }
0xa1: {  	s23 =	simm.s32 $0x1B8B  }
0xa2: {  	_ =	swait.ge [sflag:s23], $0x1  }
0xa3: {  	[sflag:s23] =	ssyncset.done $0x0  }
0xa4: {  	s25 =	simm.s32 $0x1B8E;
	s24 =	sld [smem:$0x3FFE];
	[sflag:s23] =	ssyncadd.s32 $0xFFFFFFFF  }
0xa5: {  	s26 =	simm.s32 $execute0_lowered;
	[smem:$0x3FD2] =	sst s25  }
0xa6: {  	s5 =	sshll.u32 s26, $0x1;
	_ =	strace $0x80000049;
	[dreg:$0x1] =	wrdreg $0xFFFFFFFF  }
0xa7: {  	s28 =	simm.s32 $_size_execute0_lowered;
	s3 =	sadd.s32 s3, s5;
	[dreg:$0x0] =	wrdreg $0x0  }
0xa8: {  	s5 =	sshll.u32 s28, $0x1;
	[dreg:$0x2] =	wrdreg s3  }
0xa9: {  	[dreg:$0x3] =	wrdreg s5  }
0xaa: {  	[dreg:$0x4] =	wrdreg $0xC0  }
0xab: {  	_ =	task [dreg:s7], $0x5FFFF  }
0xac: {  	[dreg:$0x1] =	wrdreg $0xFFFFFFFF  }
0xad: {  	[dreg:$0x0] =	wrdreg $0x60  }
0xae: {  	[dreg:$0x2] =	wrdreg s24  }
0xaf: {  	[dreg:$0x3] =	wrdreg s2  }
0xb0: {  	[dreg:$0x4] =	wrdreg $0x49800  }
0xb1: {  	[dreg:$0x5] =	wrdreg $0x9  }
0xb2: {  	_ =	task.clear_ibuf [dreg:s7], $0x6FFFF;
	_ =	strace $0x90000049  }
0xb3: {  	s29 =	simm.s32 $0x9;
	_ =	strace $0x8000004B  }
0xb4: {  	_ =	swait.ge [sflag:s29], $0x1  }
0xb5: {  	[sflag:s29] =	ssyncadd.s32 $0xFFFFFFFF  }
0xb6: {  	_ =	strace $0x9000004B  }
0xb7: {  	_ =	sfence  }
0xb8: {  	s30 =	sld [smem:$0x0];
	_ =	sdelay $0x2  }
0xb9: {  	s31 =	sshll.u32 s1, $0xD;
	s1 =	sshrl.u32 s1, $0x2  }
0xba: {  	s3 =	sand.u32 $0x4000, s31;
	s1 =	sadd.s32 s1, s30  }
0xbb: {  	s0 =	sor.u32 s3, s0;
	s1 =	sshll.u32 s1, $0x11  }
0xbc: {  	s0 =	sor.u32 s1, s0  }
0xbd: {  	s0 =	sadd.s32 $0x8F2B, s0  }
0xbe: {  	[sflag:s0] =	ssyncadd.remote.s32 $0x1  }
0xbf: {  	_ =	sfence.sel $0xFFFF  }
0xc0: {  	[dreg:$0x0] =	wrdreg $0xFFFFFFFF;
	(pc) =	sbr.abs _section_cstart, $3  }
0xc1: {  	[dreg:$0x1] =	wrdreg $0xFFFFFFFF  }
0xc2: {  	_ =	task.clear_ibuf [dreg:s7], $0x2FFFF;
	_ =	strace $0x9FFFFFFF  }
0xc3: {  	(tm) =	ssettm $0x7FFFFFFF  }
tec
execute0_lowered:
.L_overlay_start_1:
0x0: {  	(tag) =	ssettag $0x1  }
0x1: {  	s0 =	rddreg [dreg:$0x0]  }
0x2: {  	s1 =	srdreg.scid;
	s3 =	rddreg [dreg:$0x2]  }
0x3: {  	s4 =	simm.s32 $0x0;
	s15 =	simm.s32 $0xA;
	s16 =	simm.s32 $0x30  }
0x4: {  	s17 =	simm.s32 $0x80;
	s2 =	sand.u32 $0x1, s1;
	s1 =	stileid.u32  }
0x5: {  	[smem:$0x7FF] =	sst s4;
	s9 =	sadd.s32 $0x516600, s0;
	s13 =	smul.u32 $0x1400, s2  }
0x6: {  	s8 =	sadd.s32 $0x8400, s0;
	s5 =	smul.u32 $0x140, s1;
	_ =	strace $0x8000004A  }
0x7: {  	s2 =	ssub.s32 $0x2, s2;
	s6 =	smul.u32 $0xF600, s1;
	s24 =	sshll.u32 s1, $0x6  }
0x8: {  	s10 =	sor.u32 $0x10, s1;
	s25 =	sshll.u32 s1, $0x4;
	s7 =	sshll.u32 s1, $0xB  }
0x9: {  	s28 =	ssub.s32 $0x4E2, s1;
	s12 =	smul.u32 $0xF000, s1;
	s30 =	ssub.s32 $0x4D2, s1  }
0xa: {  	s22 =	sshrl.u32 s2, $0x1;
	s11 =	sshll.u32 s10, $0x4;
	[dreg:$0x4] =	wrdreg s28  }
0xb: {  	s7 =	sadd.s32 s9, s7;
	s10 =	sshll.u32 s10, $0xB;
	[dreg:$0x5] =	wrdreg s30  }
0xc: {  	s5 =	sadd.s32 s5, s13;
	s2 =	ssub.s32 s2, s22;
	s23 =	sshrl.u32 s6, $0x2  }
0xd: {  	s6 =	sadd.s32 s8, s25;
	s26 =	sadd.s32 s8, s11;
	s29 =	sadd.s32 s9, s10  }
0xe: {  	s31 =	sshrl.u32 s12, $0x2;
	s5 =	sshll.u32 s5, $0x4;
	[dreg:$0x6] =	wrdreg s26  }
0xf: {  	s14 =	sadd.s32 s23, s3;
	[dreg:$0x7] =	wrdreg s29;
	s18 =	sadd.s32 s31, s3  }
0x10: {  	s11 =	smax.u32 s2, $0x1;
	s12 =	sadd.s32 $0x400, s6;
	s0 =	sadd.s32 s5, s0  }
0x11: {  	s5 =	sor.u32 $0x1C0A, s24;
	s14 =	sshrl.u32 s14, $0x3;
	s20 =	sshrl.u32 s18, $0x3  }
0x12: {  	v0 =	vmov s13;
	s24 =	simm.s32 $0x0;
	s10 =	sadd.s32 $0x34600, s0;
	s0 =	sadd.s32 $0x20000, s7  }
.LBB2_1:
0x13: {  	s2 =	rddreg [dreg:$0x1]  }
0x14: {  	[spmem:s14], [sflag:s5] =	dma.local [hbm:s2], $0x7B0  }
0x15: {  	_ =	swait.ge [sflag:s15], $0x7B0  }
0x16: {  	[sflag:s15] =	ssyncset.done $0x0  }
0x17: {  	[sflag:s15] =	ssyncadd.s32 $0xFFFFF850  }
0x18: {  	s19 =	simm.s32 $0x0;
	[bflag:$0x0] =	sbarrier.arrive $0xFFFF  }
0x19: {  	[tilespmem:s19], [sflag:$0x1] =	stream.linear.gather [hbm4b:s6+s19], $0x80, $0x38;
	[tilespmem:$0x8700] =	vst v63  }
0x1a: {  	s4 =	simm.s32 $0x180;
	s22 =	rddreg [dreg:$0x4]  }
0x1b: {  	[tilespmem:s4], [sflag:$0x4] =	stream.strided.gather [hbm4b:s7+s16], $0x1800, s17, s16, $0x38;
	[tilespmem:$0x8700] =	vst v63  }
0x1c: {  	s21 =	rddreg [dreg:$0x6];
	p0 =	sle.u32 s22, $0x0  }
0x1d: {  	[tilespmem:s17], [sflag:$0x2] =	stream.linear.gather [hbm4b:s21+s19], $0x80, $0x38;
	[tilespmem:$0x8700] =	vst v63  }
0x1e: {  	s8 =	simm.s32 $0x1980;
	s23 =	rddreg [dreg:$0x7];
	s2 =	simm.s32 @!p0 $0x1  }
0x1f: {  	[tilespmem:s8], [sflag:$0x5] =	stream.strided.gather [hbm4b:s23+s16], $0x1800, s17, s16, $0x38;
	[tilespmem:$0x8700] =	vst v63  }
0x20: {  	_ =	swait.ge @!p0 [sflag:s2], $0x80  }
0x21: {  	[sflag:s2] =	ssyncset.done @!p0 $0x0  }
0x22: {  	[sflag:s2] =	ssyncadd.s32 @!p0 $0xFFFFFF80;
	s2 =	simm.s32 @!p0 $0x4  }
0x23: {  	_ =	swait.ge @!p0 [sflag:s2], $0x1800  }
0x24: {  	[sflag:s2] =	ssyncset.done @!p0 $0x0  }
0x25: {  	[sflag:s2] =	ssyncadd.s32 @!p0 $0xFFFFE800  }
0x26: {  	v1 =	vld @!p0 [tilespmem:$0x70]  }
0x27: {  	v2 =	vld @!p0 [tilespmem:$0x30]  }
0x28: {  	v3 =	vld @!p0 [tilespmem:$0x20]  }
0x29: {  	v4 =	vld @!p0 [tilespmem:$0x0]  }
0x2a: {  	v5 =	vld @!p0 [tilespmem:$0x10]  }
0x2b: {  	v6 =	vld @!p0 [tilespmem:$0x50];
	v1 =	vsub.s32 @!p0 v1, v0  }
0x2c: {  	v7 =	vld @!p0 [tilespmem:$0x60];
	v2 =	vsub.s32 @!p0 v2, v0;
	v1 =	vmin.u32 @!p0 v1, $0x1400  }
0x2d: {  	v8 =	vld @!p0 [tilespmem:$0x40];
	v3 =	vsub.s32 @!p0 v3, v0;
	v2 =	vmin.u32 @!p0 v2, $0x1400;
	[tilespmem:$0x70] =	vst @!p0 v1  }
0x2e: {  	v3 =	vmin.u32 @!p0 v3, $0x1400;
	v1 =	vsub.s32 @!p0 v4, v0;
	[tilespmem:$0x30] =	vst @!p0 v2  }
0x2f: {  	v2 =	vsub.s32 @!p0 v5, v0;
	[tilespmem:$0x20] =	vst @!p0 v3;
	v1 =	vmin.u32 @!p0 v1, $0x1400  }
0x30: {  	[tilespmem:$0x0] =	vst @!p0 v1;
	v1 =	vmin.u32 @!p0 v2, $0x1400;
	v2 =	vsub.s32 @!p0 v6, v0  }
0x31: {  	s25 =	sadd.s32 $0x0, s1;
	[tilespmem:$0x10] =	vst @!p0 v1;
	v1 =	vmin.u32 @!p0 v2, $0x1400;
	v2 =	vsub.s32 @!p0 v7, v0  }
0x32: {  	s26 =	sadd.s32 $0x20, s25;
	v3 =	vsub.s32 @!p0 v8, v0;
	[tilespmem:$0x50] =	vst @!p0 v1;
	v1 =	vmin.u32 @!p0 v2, $0x1400  }
0x33: {  	p2 =	por $0x1, $0x1;
	p1 =	sgt.u32 s26, $0x4E1;
	v2 =	vmin.u32 @!p0 v3, $0x1400;
	[tilespmem:$0x60] =	vst @!p0 v1  }
0x34: {  	s13 =	simm.s32 @!p0 $0x180;
	s18 =	simm.s32 @!p0 $0x80;
	s2 =	simm.s32 @!p0 $0x0;
	[tilespmem:$0x40] =	vst @!p0 v2  }
0x35: {  	[spmem:s3] =	stream.indirect.scatter.add.f32 @!p0 [tilespmem:s13], [sflag:$0x7], $0x30, s2, s18, $0xb8;
	[tilespmem:$0x8700] =	vst v63  }
0x36: {  	s28 =	simm.s32 @!p1 $0x100;
	s2 =	simm.s32 @!p2 $0x9  }
0x37: {  	s30 =	simm.s32 @!p1 $0x80;
	s21 =	simm.s32 @!p1 $0x0;
	_ =	swait.ge @!p2 [sflag:s2], $0x1800  }
0x38: {  	s18 =	sadd.s32 @!p1 $0xFFFFFE00, s12;
	[sflag:s2] =	ssyncset.done @!p2 $0x0;
	s19 =	rddreg [dreg:$0x5]  }
0x39: {  	[sflag:s2] =	ssyncadd.s32 @!p2 $0xFFFFE800;
	s2 =	simm.s32 @!p1 $0x3180;
	p2 =	sle.u32 s19, $0x0  }
0x3a: {  	[tilespmem:s28], [sflag:$0x3] =	stream.linear.gather @!p1 [hbm4b:s18+s21], $0x80, $0x38;
	[tilespmem:$0x8700] =	vst v63  }
0x3b: {  	s19 =	simm.s32 @!p1 $0x30;
	s18 =	sadd.s32 @!p1 $0xFFFF0000, s0;
	s21 =	simm.s32 @!p2 $0x2  }
0x3c: {  	[tilespmem:s2], [sflag:$0x6] =	stream.strided.gather @!p1 [hbm4b:s18+s19], $0x1800, s30, s19, $0x38;
	[tilespmem:$0x8700] =	vst v63  }
0x3d: {  	_ =	swait.ge @!p2 [sflag:s21], $0x80  }
0x3e: {  	[sflag:s21] =	ssyncset.done @!p2 $0x0  }
0x3f: {  	s18 =	simm.s32 @!p2 $0x5;
	[sflag:s21] =	ssyncadd.s32 @!p2 $0xFFFFFF80  }
0x40: {  	_ =	swait.ge @!p2 [sflag:s18], $0x1800  }
0x41: {  	s29 =	simm.s32 $0x30;
	s31 =	smov.u32 s12;
	[sflag:s18] =	ssyncset.done @!p2 $0x0  }
0x42: {  	s26 =	smov.u32 s12;
	s13 =	smov.u32 s0;
	[sflag:s18] =	ssyncadd.s32 @!p2 $0xFFFFE800  }
0x43: {  	s21 =	sadd.s32 $0x30, s25;
	s18 =	sadd.s32 $0x40, s25;
	s25 =	smov.u32 s0;
	v1 =	vld @!p2 [tilespmem:$0xA0]  }
.LBB2_2:
0x44: {  	v2 =	vld @!p2 [tilespmem:$0xF0]  }
0x45: {  	v4 =	vld @!p2 [tilespmem:$0x90]  }
0x46: {  	v3 =	vld @!p2 [tilespmem:$0xE0]  }
0x47: {  	v6 =	vld @!p2 [tilespmem:$0xB0]  }
0x48: {  	v5 =	vld @!p2 [tilespmem:$0xD0];
	v1 =	vsub.s32 @!p2 v1, v0  }
0x49: {  	v7 =	vld @!p2 [tilespmem:$0x80];
	v1 =	vmin.u32 @!p2 v1, $0x1400;
	v2 =	vsub.s32 @!p2 v2, v0  }
0x4a: {  	v4 =	vsub.s32 @!p2 v4, v0;
	[tilespmem:$0xA0] =	vst @!p2 v1;
	v1 =	vld @!p2 [tilespmem:$0xC0];
	v2 =	vmin.u32 @!p2 v2, $0x1400  }
0x4b: {  	v3 =	vsub.s32 @!p2 v3, v0;
	[tilespmem:$0xF0] =	vst @!p2 v2;
	v2 =	vmin.u32 @!p2 v4, $0x1400  }
0x4c: {  	v3 =	vmin.u32 @!p2 v3, $0x1400;
	[tilespmem:$0x90] =	vst @!p2 v2;
	v2 =	vsub.s32 @!p2 v6, v0  }
0x4d: {  	v4 =	vsub.s32 @!p2 v5, v0;
	[tilespmem:$0xE0] =	vst @!p2 v3;
	v2 =	vmin.u32 @!p2 v2, $0x1400  }
0x4e: {  	v3 =	vmin.u32 @!p2 v4, $0x1400;
	[tilespmem:$0xB0] =	vst @!p2 v2;
	v2 =	vsub.s32 @!p2 v7, v0  }
0x4f: {  	[tilespmem:$0xD0] =	vst @!p2 v3;
	v1 =	vsub.s32 @!p2 v1, v0;
	v2 =	vmin.u32 @!p2 v2, $0x1400  }
0x50: {  	v1 =	vmin.u32 @!p2 v1, $0x1400;
	[tilespmem:$0x80] =	vst @!p2 v2  }
0x51: {  	s22 =	simm.s32 @!p2 $0x80;
	s23 =	simm.s32 @!p2 $0x1980;
	s4 =	simm.s32 @!p0 $0x7;
	[tilespmem:$0xC0] =	vst @!p2 v1  }
0x52: {  	[spmem:s3] =	stream.indirect.scatter.add.f32 @!p2 [tilespmem:s23], [sflag:$0x8], $0x30, s22, s22, $0xb8;
	[tilespmem:$0x8700] =	vst v63  }
0x53: {  	p4 =	sgt.u32 s21, $0x4E1;
	_ =	swait.ge @!p0 [sflag:s4], $0x1800  }
0x54: {  	s21 =	simm.s32 @!p4 $0x80;
	s8 =	simm.s32 @!p4 $0x30;
	[sflag:s4] =	ssyncset.done @!p0 $0x0  }
0x55: {  	s22 =	simm.s32 @!p4 $0x0;
	[sflag:s4] =	ssyncadd.s32 @!p0 $0xFFFFE800;
	s4 =	sadd.s32 @!p4 $0xFFFFFF00, s26  }
0x56: {  	[tilespmem:s22], [sflag:$0x1] =	stream.linear.gather @!p4 [hbm4b:s4+s22], $0x80, $0x38;
	[tilespmem:$0x8700] =	vst v63  }
0x57: {  	s9 =	simm.s32 @!p4 $0x180;
	s23 =	sadd.s32 @!p4 $0xFFFF8000, s25;
	s4 =	simm.s32 @!p1 $0x3  }
0x58: {  	[tilespmem:s9], [sflag:$0x4] =	stream.strided.gather @!p4 [hbm4b:s23+s8], $0x1800, s21, s8, $0x38;
	[tilespmem:$0x8700] =	vst v63  }
0x59: {  	_ =	swait.ge @!p1 [sflag:s4], $0x80  }
0x5a: {  	[sflag:s4] =	ssyncset.done @!p1 $0x0  }
0x5b: {  	[sflag:s4] =	ssyncadd.s32 @!p1 $0xFFFFFF80;
	s4 =	simm.s32 @!p1 $0x6  }
0x5c: {  	_ =	swait.ge @!p1 [sflag:s4], $0x1800  }
0x5d: {  	[sflag:s4] =	ssyncset.done @!p1 $0x0  }
0x5e: {  	[sflag:s4] =	ssyncadd.s32 @!p1 $0xFFFFE800  }
0x5f: {  	v1 =	vld @!p1 [tilespmem:$0x100]  }
0x60: {  	v2 =	vld @!p1 [tilespmem:$0x110]  }
0x61: {  	v3 =	vld @!p1 [tilespmem:$0x120]  }
0x62: {  	v4 =	vld @!p1 [tilespmem:$0x130]  }
0x63: {  	v5 =	vld @!p1 [tilespmem:$0x150]  }
0x64: {  	v6 =	vld @!p1 [tilespmem:$0x160];
	v1 =	vsub.s32 @!p1 v1, v0  }
0x65: {  	v7 =	vld @!p1 [tilespmem:$0x170];
	v2 =	vsub.s32 @!p1 v2, v0;
	v1 =	vmin.u32 @!p1 v1, $0x1400  }
0x66: {  	[tilespmem:$0x100] =	vst @!p1 v1;
	v1 =	vmin.u32 @!p1 v2, $0x1400;
	v2 =	vsub.s32 @!p1 v3, v0;
	v3 =	vld @!p1 [tilespmem:$0x140]  }
0x67: {  	[tilespmem:$0x110] =	vst @!p1 v1;
	v1 =	vmin.u32 @!p1 v2, $0x1400;
	v2 =	vsub.s32 @!p1 v4, v0  }
0x68: {  	[tilespmem:$0x120] =	vst @!p1 v1;
	v1 =	vmin.u32 @!p1 v2, $0x1400;
	v2 =	vsub.s32 @!p1 v5, v0  }
0x69: {  	[tilespmem:$0x130] =	vst @!p1 v1;
	v1 =	vmin.u32 @!p1 v2, $0x1400;
	v2 =	vsub.s32 @!p1 v6, v0  }
0x6a: {  	[tilespmem:$0x150] =	vst @!p1 v1;
	v1 =	vmin.u32 @!p1 v2, $0x1400;
	v2 =	vsub.s32 @!p1 v7, v0  }
0x6b: {  	[tilespmem:$0x160] =	vst @!p1 v1;
	v1 =	vmin.u32 @!p1 v2, $0x1400;
	v2 =	vsub.s32 @!p1 v3, v0  }
0x6c: {  	[tilespmem:$0x170] =	vst @!p1 v1;
	v1 =	vmin.u32 @!p1 v2, $0x1400  }
0x6d: {  	s4 =	simm.s32 @!p2 $0x8;
	[tilespmem:$0x140] =	vst @!p1 v1  }
0x6e: {  	[spmem:s3] =	stream.indirect.scatter.add.f32 @!p1 [tilespmem:s2], [sflag:$0x9], $0x30, s28, s30, $0xb8;
	[tilespmem:$0x8700] =	vst v63  }
0x6f: {  	s19 =	smov.u32 s29;
	p1 =	sgt.u32 s18, $0x4E1;
	_ =	swait.ge @!p2 [sflag:s4], $0x1800  }
0x70: {  	s8 =	simm.s32 @!p1 $0x80;
	s9 =	rddreg [dreg:$0x4];
	[sflag:s4] =	ssyncset.done @!p2 $0x0  }
0x71: {  	[sflag:s4] =	ssyncadd.s32 @!p2 $0xFFFFE800;
	s4 =	simm.s32 @!p1 $0x0;
	p0 =	sge.u32 s19, s9  }
0x72: {  	[tilespmem:s8], [sflag:$0x2] =	stream.linear.gather @!p1 [hbm4b:s26+s4], $0x80, $0x38;
	[tilespmem:$0x8700] =	vst v63  }
0x73: {  	s9 =	simm.s32 @!p1 $0x1980;
	s2 =	simm.s32 @!p0 $0x1;
	s4 =	simm.s32 @!p1 $0x30  }
0x74: {  	[tilespmem:s9], [sflag:$0x5] =	stream.strided.gather @!p1 [hbm4b:s25+s4], $0x1800, s8, s4, $0x38;
	[tilespmem:$0x8700] =	vst v63  }
0x75: {  	_ =	swait.ge @!p0 [sflag:s2], $0x80  }
0x76: {  	[sflag:s2] =	ssyncset.done @!p0 $0x0  }
0x77: {  	[sflag:s2] =	ssyncadd.s32 @!p0 $0xFFFFFF80;
	s2 =	simm.s32 @!p0 $0x4  }
0x78: {  	_ =	swait.ge @!p0 [sflag:s2], $0x1800  }
0x79: {  	[sflag:s2] =	ssyncset.done @!p0 $0x0  }
0x7a: {  	[sflag:s2] =	ssyncadd.s32 @!p0 $0xFFFFE800  }
0x7b: {  	v1 =	vld @!p0 [tilespmem:$0x70]  }
0x7c: {  	v2 =	vld @!p0 [tilespmem:$0x30]  }
0x7d: {  	v3 =	vld @!p0 [tilespmem:$0x20]  }
0x7e: {  	v4 =	vld @!p0 [tilespmem:$0x0]  }
0x7f: {  	v5 =	vld @!p0 [tilespmem:$0x10]  }
0x80: {  	v6 =	vld @!p0 [tilespmem:$0x50];
	v1 =	vsub.s32 @!p0 v1, v0  }
0x81: {  	v7 =	vld @!p0 [tilespmem:$0x60];
	v2 =	vsub.s32 @!p0 v2, v0;
	v1 =	vmin.u32 @!p0 v1, $0x1400  }
0x82: {  	v8 =	vld @!p0 [tilespmem:$0x40];
	v3 =	vsub.s32 @!p0 v3, v0;
	v2 =	vmin.u32 @!p0 v2, $0x1400;
	[tilespmem:$0x70] =	vst @!p0 v1  }
0x83: {  	v3 =	vmin.u32 @!p0 v3, $0x1400;
	v1 =	vsub.s32 @!p0 v4, v0;
	[tilespmem:$0x30] =	vst @!p0 v2  }
0x84: {  	v2 =	vsub.s32 @!p0 v5, v0;
	[tilespmem:$0x20] =	vst @!p0 v3;
	v1 =	vmin.u32 @!p0 v1, $0x1400  }
0x85: {  	[tilespmem:$0x0] =	vst @!p0 v1;
	v1 =	vmin.u32 @!p0 v2, $0x1400;
	v2 =	vsub.s32 @!p0 v6, v0  }
0x86: {  	[tilespmem:$0x10] =	vst @!p0 v1;
	v1 =	vmin.u32 @!p0 v2, $0x1400;
	v2 =	vsub.s32 @!p0 v7, v0  }
0x87: {  	s31 =	sadd.s32 $0x300, s31;
	s18 =	sadd.s32 s19, s1;
	v3 =	vsub.s32 @!p0 v8, v0;
	[tilespmem:$0x50] =	vst @!p0 v1;
	v1 =	vmin.u32 @!p0 v2, $0x1400  }
0x88: {  	s22 =	sadd.s32 $0x20, s18;
	p2 =	seq.s32 s19, $0x0;
	s4 =	simm.s32 @!p0 $0x0;
	v2 =	vmin.u32 @!p0 v3, $0x1400;
	[tilespmem:$0x60] =	vst @!p0 v1  }
0x89: {  	s8 =	simm.s32 @!p0 $0x180;
	p1 =	sgt.u32 s22, $0x4E1;
	s2 =	simm.s32 @!p0 $0x80;
	[tilespmem:$0x40] =	vst @!p0 v2  }
0x8a: {  	[spmem:s3] =	stream.indirect.scatter.add.f32 @!p0 [tilespmem:s8], [sflag:$0x7], $0x30, s4, s2, $0xb8;
	[tilespmem:$0x8700] =	vst v63  }
0x8b: {  	s13 =	sadd.s32 $0x18000, s13;
	s9 =	sadd.s32 @!p1 $0xFFFFFE00, s31;
	s2 =	simm.s32 @!p2 $0x9  }
0x8c: {  	s22 =	simm.s32 @!p1 $0x0;
	s28 =	simm.s32 @!p1 $0x100;
	_ =	swait.ge @!p2 [sflag:s2], $0x1800  }
0x8d: {  	s30 =	simm.s32 @!p1 $0x80;
	[sflag:s2] =	ssyncset.done @!p2 $0x0;
	s23 =	rddreg [dreg:$0x5]  }
0x8e: {  	s4 =	sadd.s32 @!p1 $0xFFFF0000, s13;
	[sflag:s2] =	ssyncadd.s32 @!p2 $0xFFFFE800;
	p2 =	sge.u32 s19, s23  }
0x8f: {  	[tilespmem:s28], [sflag:$0x3] =	stream.linear.gather @!p1 [hbm4b:s9+s22], $0x80, $0x38;
	[tilespmem:$0x8700] =	vst v63  }
0x90: {  	s8 =	simm.s32 @!p1 $0x30;
	s2 =	simm.s32 @!p1 $0x3180;
	s9 =	simm.s32 @!p2 $0x2  }
0x91: {  	[tilespmem:s2], [sflag:$0x6] =	stream.strided.gather @!p1 [hbm4b:s4+s8], $0x1800, s30, s8, $0x38;
	[tilespmem:$0x8700] =	vst v63  }
0x92: {  	s29 =	sadd.s32 $0x30, s29;
	_ =	swait.ge @!p2 [sflag:s9], $0x80  }
0x93: {  	p3 =	sne.s32 s29, $0x510;
	[sflag:s9] =	ssyncset.done @!p2 $0x0  }
.Ltmp0:
0x94: {  	s4 =	simm.s32 @!p2 $0x5;
	[sflag:s9] =	ssyncadd.s32 @!p2 $0xFFFFFF80;
	(pc) =	sbr.rel @p3 .LBB2_2-.Ltmp0, $4  }
0x95: {  	_ =	swait.ge @!p2 [sflag:s4], $0x1800  }
0x96: {  	[sflag:s4] =	ssyncset.done @!p2 $0x0  }
0x97: {  	s21 =	sadd.s32 $0x30, s18;
	[sflag:s4] =	ssyncadd.s32 @!p2 $0xFFFFE800  }
0x98: {  	s18 =	sadd.s32 $0x40, s18;
	s26 =	smov.u32 s31;
	s25 =	smov.u32 s13;
	v1 =	vld @!p2 [tilespmem:$0xA0]  }
0x99: {  	v2 =	vld @!p2 [tilespmem:$0xF0]  }
0x9a: {  	v3 =	vld @!p2 [tilespmem:$0xE0]  }
0x9b: {  	v4 =	vld @!p2 [tilespmem:$0x90]  }
0x9c: {  	v5 =	vld @!p2 [tilespmem:$0xD0]  }
0x9d: {  	v6 =	vld @!p2 [tilespmem:$0xB0];
	v1 =	vsub.s32 @!p2 v1, v0  }
0x9e: {  	v7 =	vld @!p2 [tilespmem:$0xC0];
	v1 =	vmin.u32 @!p2 v1, $0x1400;
	v2 =	vsub.s32 @!p2 v2, v0  }
0x9f: {  	[tilespmem:$0xA0] =	vst @!p2 v1;
	v1 =	vsub.s32 @!p2 v3, v0;
	v2 =	vmin.u32 @!p2 v2, $0x1400;
	v3 =	vld @!p2 [tilespmem:$0x80]  }
0xa0: {  	v4 =	vsub.s32 @!p2 v4, v0;
	v1 =	vmin.u32 @!p2 v1, $0x1400;
	[tilespmem:$0xF0] =	vst @!p2 v2  }
0xa1: {  	v2 =	vmin.u32 @!p2 v4, $0x1400;
	v4 =	vsub.s32 @!p2 v5, v0;
	[tilespmem:$0xE0] =	vst @!p2 v1  }
0xa2: {  	[tilespmem:$0x90] =	vst @!p2 v2;
	v1 =	vsub.s32 @!p2 v6, v0;
	v2 =	vmin.u32 @!p2 v4, $0x1400  }
0xa3: {  	v1 =	vmin.u32 @!p2 v1, $0x1400;
	[tilespmem:$0xD0] =	vst @!p2 v2;
	v2 =	vsub.s32 @!p2 v7, v0  }
0xa4: {  	[tilespmem:$0xB0] =	vst @!p2 v1;
	v2 =	vmin.u32 @!p2 v2, $0x1400;
	v1 =	vsub.s32 @!p2 v3, v0  }
0xa5: {  	[tilespmem:$0xC0] =	vst @!p2 v2;
	v1 =	vmin.u32 @!p2 v1, $0x1400  }
0xa6: {  	s4 =	simm.s32 @!p2 $0x80;
	s8 =	simm.s32 @!p2 $0x1980;
	s9 =	simm.s32 @!p0 $0x7;
	[tilespmem:$0x80] =	vst @!p2 v1  }
0xa7: {  	[spmem:s3] =	stream.indirect.scatter.add.f32 @!p2 [tilespmem:s8], [sflag:$0x8], $0x30, s4, s4, $0xb8;
	[tilespmem:$0x8700] =	vst v63  }
0xa8: {  	p3 =	sgt.u32 s21, $0x4E1;
	_ =	swait.ge @!p0 [sflag:s9], $0x1800  }
0xa9: {  	s19 =	simm.s32 @!p1 $0x3;
	s13 =	sadd.s32 @!p3 $0xFFFF8000, s25;
	[sflag:s9] =	ssyncset.done @!p0 $0x0  }
0xaa: {  	s4 =	sadd.s32 @!p3 $0xFFFFFF00, s26;
	[sflag:s9] =	ssyncadd.s32 @!p0 $0xFFFFE800;
	s9 =	simm.s32 @!p3 $0x0  }
0xab: {  	[tilespmem:s9], [sflag:$0x1] =	stream.linear.gather @!p3 [hbm4b:s4+s9], $0x80, $0x38;
	[tilespmem:$0x8700] =	vst v63  }
0xac: {  	s8 =	simm.s32 @!p3 $0x80;
	s4 =	simm.s32 @!p3 $0x30;
	s9 =	simm.s32 @!p3 $0x180  }
0xad: {  	[tilespmem:s9], [sflag:$0x4] =	stream.strided.gather @!p3 [hbm4b:s13+s4], $0x1800, s8, s4, $0x38;
	[tilespmem:$0x8700] =	vst v63  }
0xae: {  	_ =	swait.ge @!p1 [sflag:s19], $0x80  }
0xaf: {  	[sflag:s19] =	ssyncset.done @!p1 $0x0  }
0xb0: {  	s4 =	simm.s32 @!p1 $0x6;
	[sflag:s19] =	ssyncadd.s32 @!p1 $0xFFFFFF80  }
0xb1: {  	_ =	swait.ge @!p1 [sflag:s4], $0x1800  }
0xb2: {  	[sflag:s4] =	ssyncset.done @!p1 $0x0  }
0xb3: {  	[sflag:s4] =	ssyncadd.s32 @!p1 $0xFFFFE800  }
0xb4: {  	v1 =	vld @!p1 [tilespmem:$0x100]  }
0xb5: {  	v2 =	vld @!p1 [tilespmem:$0x110]  }
0xb6: {  	v3 =	vld @!p1 [tilespmem:$0x120]  }
0xb7: {  	v4 =	vld @!p1 [tilespmem:$0x130]  }
0xb8: {  	v5 =	vld @!p1 [tilespmem:$0x150]  }
0xb9: {  	v6 =	vld @!p1 [tilespmem:$0x160];
	v1 =	vsub.s32 @!p1 v1, v0  }
0xba: {  	v7 =	vld @!p1 [tilespmem:$0x170];
	v2 =	vsub.s32 @!p1 v2, v0;
	v1 =	vmin.u32 @!p1 v1, $0x1400  }
0xbb: {  	[tilespmem:$0x100] =	vst @!p1 v1;
	v1 =	vmin.u32 @!p1 v2, $0x1400;
	v2 =	vsub.s32 @!p1 v3, v0;
	v3 =	vld @!p1 [tilespmem:$0x140]  }
0xbc: {  	[tilespmem:$0x110] =	vst @!p1 v1;
	v1 =	vmin.u32 @!p1 v2, $0x1400;
	v2 =	vsub.s32 @!p1 v4, v0  }
0xbd: {  	[tilespmem:$0x120] =	vst @!p1 v1;
	v1 =	vmin.u32 @!p1 v2, $0x1400;
	v2 =	vsub.s32 @!p1 v5, v0  }
0xbe: {  	[tilespmem:$0x130] =	vst @!p1 v1;
	v1 =	vmin.u32 @!p1 v2, $0x1400;
	v2 =	vsub.s32 @!p1 v6, v0  }
0xbf: {  	[tilespmem:$0x150] =	vst @!p1 v1;
	v1 =	vmin.u32 @!p1 v2, $0x1400;
	v2 =	vsub.s32 @!p1 v7, v0  }
0xc0: {  	[tilespmem:$0x160] =	vst @!p1 v1;
	v1 =	vmin.u32 @!p1 v2, $0x1400;
	v2 =	vsub.s32 @!p1 v3, v0  }
0xc1: {  	[tilespmem:$0x170] =	vst @!p1 v1;
	v1 =	vmin.u32 @!p1 v2, $0x1400  }
0xc2: {  	s4 =	simm.s32 @!p2 $0x8;
	[tilespmem:$0x140] =	vst @!p1 v1  }
0xc3: {  	[spmem:s3] =	stream.indirect.scatter.add.f32 @!p1 [tilespmem:s2], [sflag:$0x9], $0x30, s28, s30, $0xb8;
	[tilespmem:$0x8700] =	vst v63  }
0xc4: {  	_ =	swait.ge @!p2 [sflag:s4], $0x1800  }
0xc5: {  	p0 =	sgt.u32 s18, $0x4E1;
	[sflag:s4] =	ssyncset.done @!p2 $0x0  }
0xc6: {  	s2 =	simm.s32 @!p0 $0x0;
	[sflag:s4] =	ssyncadd.s32 @!p2 $0xFFFFE800;
	s4 =	simm.s32 @!p0 $0x80  }
0xc7: {  	[tilespmem:s4], [sflag:$0x2] =	stream.linear.gather @!p0 [hbm4b:s26+s2], $0x80, $0x38;
	[tilespmem:$0x8700] =	vst v63  }
0xc8: {  	s24 =	sadd.s32 $0x1, s24;
	s8 =	simm.s32 @!p0 $0x1980;
	s2 =	simm.s32 @!p0 $0x30  }
0xc9: {  	[tilespmem:s8], [sflag:$0x5] =	stream.strided.gather @!p0 [hbm4b:s25+s2], $0x1800, s4, s2, $0x38;
	[tilespmem:$0x8700] =	vst v63  }
0xca: {  	s29 =	simm.s32 $0x1;
	s31 =	simm.s32 $0x6;
	p0 =	sne.s32 s24, s11  }
.Ltmp1:
0xcb: {  	s30 =	simm.s32 $0x10;
	[bflag:$0x0] =	sbarrier.arrive $0xFFFF;
	(pc) =	sbr.rel @p0 .LBB2_1-.Ltmp1, $4  }
0xcc: {  	[hbm:s10@s30], [sflag:s5] =	dma.strided [spmem:s20@s31], $0x780, s29, $0x6   }
0xcd: {  	_ =	swait.ge [sflag:s15], $0x780  }
0xce: {  	[sflag:s15] =	ssyncset.done $0x0  }
0xcf: {  	[sflag:s15] =	ssyncadd.s32 $0xFFFFF880  }
0xd0: {  	_ =	sfence.sel $0x180000  }
0xd1: {  	[bflag:$0x0] =	sbarrier.arrive $0xFFFF  }
0xd2: {  	_ =	strace $0x9000004A  }
0xd3: {  	[bflag:$0x2] =	sbarrier.arrive $0xFFFF  }
0xd4: {  	p0 =	sne.s32 s1, $0x0;
	s0 =	rddreg [dreg:$0x3]  }
0xd5: {  	s0 =	sadd.s32 @!p0 $0x100000, s0  }
0xd6: {  	[sflag:s0] =	ssyncadd.tile.s32 @!p0 $0x1;
	_ =	shalt  }
.Lfunc_end2:
_tile_overlayer_lowered:
.L_overlay_start_2:
0xd7: {  	(tag) =	ssettag $0x2  }
0xd8: {  	s0 =	rddreg [dreg:$0x0];
	s2 =	stileid.u32  }
0xd9: {  	s1 =	rddreg [dreg:$0x1];
	p0 =	sne.s32 s2, $0x0  }
0xda: {  	s3 =	rddreg [dreg:$0x2];
	[bflag:$0x3] =	sbarrier.arrive $0xFFFF;
	s2 =	simm.s32 @!p0 $0x1C0A  }
0xdb: {  	[timem:s3], [sflag:s2] =	dma.local @!p0 [hbm:s0], s1  }
0xdc: {  	s0 =	simm.s32 @!p0 $0xA  }
0xdd: {  	_ =	swait.ge @!p0 [sflag:s0], s1  }
0xde: {  	s1 =	ssub.s32 @!p0 $0x0, s1;
	[sflag:s0] =	ssyncset.done @!p0 $0x0  }
0xdf: {  	[sflag:s0] =	ssyncadd.s32 @!p0 s1  }
0xe0: {  	[bflag:$0x3] =	sbarrier.arrive $0xFFFF  }
0xe1: {  	_ =	shalt  }

// kernel: kernel.7.cloned.1.call-start
scs
__scs_entry_jumppad:
0x0: {  	(pc) =	sbr.rel $0x88, $3  }
0x1: {  	(tag) =	ssettag $0x0;
	lr =	simm.s32 $0x1  }
0x2: {  	[smem:$0x3F92] =	sst lr;
	_ =	strace $0xD0000000  }
0x3: {  	_ = 	snop  }
0x4: {  	_ = 	snop  }
0x5: {  	_ = 	snop  }
0x6: {  	_ = 	snop  }
0x7: {  	_ = 	snop  }
__scs_overlays_trampoline_lowered:
0x8: {  	[smem:$0x3FA1] =	sst s0  }
0x9: {  	[smem:$0x3FA2] =	sst s1  }
0xa: {  	[smem:$0x3FA3] =	sst s2  }
0xb: {  	[smem:$0x3FA4] =	sst s3  }
0xc: {  	[smem:$0x3FA5] =	sst s4  }
0xd: {  	[smem:$0x3FA6] =	sst s5  }
0xe: {  	[smem:$0x3FA7] =	sst s6  }
0xf: {  	[smem:$0x3FA8] =	sst s7  }
0x10: {  	[smem:$0x3FA9] =	sst s8  }
0x11: {  	[smem:$0x3FAA] =	sst s9;
	s0 =	simm.s32 @!p0 $0x0  }
0x12: {  	s1 =	sld [smem:$0x3F90];
	s0 =	simm.s32 @p0 $0x1  }
0x13: {  	[smem:$0x3FAB] =	sst s0;
	s0 =	simm.s32 @!p1 $0x0  }
0x14: {  	s2 =	sld [smem:$0x3F8F];
	s0 =	simm.s32 @p1 $0x1  }
0x15: {  	[smem:$0x3FAC] =	sst s0;
	s0 =	simm.s32 @!p2 $0x0  }
0x16: {  	s3 =	sld [smem:$0x3FDB];
	s0 =	simm.s32 @p2 $0x1  }
0x17: {  	s4 =	simm.s32 $0x1BF5;
	[smem:$0x3FAE] =	sst s0  }
0x18: {  	s0 =	sld [smem:$0x3F91];
	_ =	swait.ge [sflag:s4], $0x0  }
0x19: {  	s7 =	sld [smem:$0x3F92]  }
0x1a: {  	s8 =	sadd.s32 $0xFFFFE003, lr  }
0x1b: {  	s9 =	sadd.s32 $0xFFFFFEF7, lr;
	s5 =	simm.s32 $0xFFFFFFFF;
	p2 =	slt.u32 s8, $0xFFFFF086  }
0x1c: {  	p1 =	slt.u32 s9, $0xF7A;
	s5 =	simm.s32 @!p2 $0x0  }
0x1d: {  	s5 =	simm.s32 @p1 $0x1;
	p0 =	seq.s32 s7, s2  }
0x1e: {  	s7 =	smul.u32 @!p0 $0xF7A, s2;
	p2 =	seq.s32 @!p0 s5, $0x0  }
0x1f: {  	s9 =	smul.u32 $0xF7A, s1;
	s8 =	simm.s32 @!p0 $0x1BF5;
	p2 =	por !p2, p0  }
0x20: {  	[sflag:s8] =	ssyncset.s32 @!p0 $0xFFFFF086;
	s6 =	sadd.s32 @!p0 s3, s7;
	s7 =	simm.s32 @!p0 $0x108  }
0x21: {  	s3 =	sadd.s32 s3, s9;
	s6 =	sadd.s32 @!p0 $0x88, s6;
	s7 =	simm.s32 @p2 $0x1082  }
0x22: {  	[simem:s7], [sflag:s8] =	dma.local @!p0 [hbm:s6], $0xF7A  }
0x23: {  	s9 =	sor.u32 $0xD0000000, s2;
	s6 =	simm.s32 $0x108;
	_ =	swait.ge @!p0 [sflag:s8], $0x0  }
0x24: {  	s3 =	sadd.s32 $0x88, s3;
	s6 =	simm.s32 @!p1 $0x1082;
	[sflag:s4] =	ssyncset.s32 $0xFFFFF086  }
0x25: {  	[simem:s6], [sflag:s4] =	dma.local [hbm:s3], $0xF7A  }
0x26: {  	[smem:$0x3F92] =	sst s1;
	(tag) =	ssettag s2;
	_ =	strace s9  }
0x27: {  	s1 =	sld [smem:$0x3FA2]  }
0x28: {  	s2 =	sld [smem:$0x3FA3]  }
0x29: {  	s4 =	sld [smem:$0x3FA5]  }
0x2a: {  	p0 =	seq.s32 s5, $0x0;
	s5 =	sld [smem:$0x3FA6]  }
0x2b: {  	s6 =	sld [smem:$0x3FA7]  }
0x2c: {  	s7 =	sld [smem:$0x3FA8]  }
0x2d: {  	s3 =	simm.s32 $0x108;
	s8 =	sld [smem:$0x3FA9]  }
0x2e: {  	s3 =	simm.s32 @!p0 $0x1082;
	s9 =	sld [smem:$0x3FAA]  }
0x2f: {  	lr =	sadd.s32 s0, s3;
	s0 =	sld [smem:$0x3FA1]  }
0x30: {  	s3 =	sld [smem:$0x3FA4]  }
0x31: {  	[smem:$0x3FAD] =	sst s10  }
0x32: {  	s10 =	sld [smem:$0x3FAB];
	_ =	sdelay $0x3  }
0x33: {  	p0 =	seq.s32 s10, $0x1;
	s10 =	sld [smem:$0x3FAD];
	_ =	sdelay $0x3  }
0x34: {  	[smem:$0x3FAD] =	sst s10  }
0x35: {  	s10 =	sld [smem:$0x3FAC];
	_ =	sdelay $0x3  }
0x36: {  	p1 =	seq.s32 s10, $0x1;
	s10 =	sld [smem:$0x3FAD];
	_ =	sdelay $0x3  }
0x37: {  	[smem:$0x3FAD] =	sst s10  }
0x38: {  	s10 =	sld [smem:$0x3FAE]  }
0x39: {  	_ = 	snop;
	(pc) =	sbr.ind lr, $3  }
0x3a: {  	_ = 	snop  }
0x3b: {  	_ = 	snop  }
0x3c: {  	p2 =	seq.s32 s10, $0x1;
	s10 =	sld [smem:$0x3FAD]  }
0x3d: {  	_ =	shalt  }
0x3e: {  	_ =	shalt  }
0x3f: {  	_ =	shalt  }
0x40: {  	_ =	shalt  }
0x41: {  	_ =	shalt  }
0x42: {  	_ =	shalt  }
0x43: {  	_ =	shalt  }
0x44: {  	_ =	shalt  }
0x45: {  	_ =	shalt  }
0x46: {  	_ =	shalt  }
0x47: {  	_ =	shalt  }
0x48: {  	_ =	shalt  }
0x49: {  	_ =	shalt  }
0x4a: {  	_ =	shalt  }
0x4b: {  	_ =	shalt  }
0x4c: {  	_ =	shalt  }
0x4d: {  	_ =	shalt  }
0x4e: {  	_ =	shalt  }
0x4f: {  	_ =	shalt  }
0x50: {  	_ =	shalt  }
0x51: {  	_ =	shalt  }
0x52: {  	_ =	shalt  }
0x53: {  	_ =	shalt  }
0x54: {  	_ =	shalt  }
0x55: {  	_ =	shalt  }
0x56: {  	_ =	shalt  }
0x57: {  	_ =	shalt  }
0x58: {  	_ =	shalt  }
0x59: {  	_ =	shalt  }
0x5a: {  	_ =	shalt  }
0x5b: {  	_ =	shalt  }
0x5c: {  	_ =	shalt  }
0x5d: {  	_ =	shalt  }
0x5e: {  	_ =	shalt  }
0x5f: {  	_ =	shalt  }
0x60: {  	_ =	shalt  }
0x61: {  	_ =	shalt  }
0x62: {  	_ =	shalt  }
0x63: {  	_ =	shalt  }
0x64: {  	_ =	shalt  }
0x65: {  	_ =	shalt  }
0x66: {  	_ =	shalt  }
0x67: {  	_ =	shalt  }
0x68: {  	_ =	shalt  }
0x69: {  	_ =	shalt  }
0x6a: {  	_ =	shalt  }
0x6b: {  	_ =	shalt  }
0x6c: {  	_ =	shalt  }
0x6d: {  	_ =	shalt  }
0x6e: {  	_ =	shalt  }
0x6f: {  	_ =	shalt  }
0x70: {  	_ =	shalt  }
0x71: {  	_ =	shalt  }
0x72: {  	_ =	shalt  }
0x73: {  	_ =	shalt  }
0x74: {  	_ =	shalt  }
0x75: {  	_ =	shalt  }
0x76: {  	_ =	shalt  }
0x77: {  	_ =	shalt  }
0x78: {  	_ =	shalt  }
0x79: {  	_ =	shalt  }
0x7a: {  	_ =	shalt  }
0x7b: {  	_ =	shalt  }
0x7c: {  	_ =	shalt  }
0x7d: {  	_ =	shalt  }
0x7e: {  	_ =	shalt  }
0x7f: {  	_ =	shalt  }
0x80: {  	_ =	shalt  }
0x81: {  	_ =	shalt  }
0x82: {  	_ =	shalt  }
0x83: {  	_ =	shalt  }
0x84: {  	_ =	shalt  }
0x85: {  	_ =	shalt  }
0x86: {  	_ =	shalt  }
0x87: {  	_ =	shalt  }
.Lfunc_end0:
.L_simem_size_0:
called_computation_lowered:
.L_overlay_start_0:
0x88: {  	s2 =	sld [smem:$0x3FD9]  }
0x89: {  	s3 =	sld [smem:$0x3FFE];
	_ =	sdelay $0x1  }
0x8a: {  	s1 =	srdreg.scid  }
0x8b: {  	s0 =	sand.u32 $0x1, s1  }
0x8c: {  	s17 =	sshll.u32 s0, $0xA;
	s2 =	sadd.s32 s3, s2  }
0x8d: {  	s2 =	sadd.s32 s2, s17  }
0x8e: {  	[smem:$0x3FB9] =	sst s2  }
0x8f: {  	_ = 	snop  }
0x90: {  	s2 =	sld [smem:$0x3FD0];
	(tm) =	ssettm $0x1  }
0x91: {  	s18 =	sld [smem:$0x3FFB];
	_ =	sdelay $0x3  }
0x92: {  	_ =	strace s18  }
0x93: {  	s3 =	sld [smem:$0x3FFC];
	_ =	sdelay $0x3  }
0x94: {  	_ =	strace s3  }
0x95: {  	s3 =	sld [smem:$0x3FFD];
	_ =	sdelay $0x3  }
0x96: {  	_ =	strace s3  }
0x97: {  	_ =	strace $0x8FFFFFFF  }
0x98: {  	s19 =	sld [smem:$0x3FDB];
	_ =	sdelay $0x1  }
0x99: {  	s4 =	simm.s32 $_scs_section_size  }
0x9a: {  	s5 =	simm.s32 $_size__tile_overlayer_lowered;
	s6 =	simm.s32 $_tile_overlayer_lowered  }
0x9b: {  	s22 =	simm.s32 $0x1BFF;
	s21 =	sshll.u32 s6, $0x1;
	s3 =	sadd.s32 s4, s19  }
0x9c: {  	s7 =	simm.s32 $0x0;
	s20 =	sshll.u32 s5, $0x1;
	s5 =	sadd.s32 s21, s3  }
0x9d: {  	[timem:s7], [sflag:s22] =	dma.local [hbm:s5], s20  }
0x9e: {  	_ =	swait.ge [sflag:s22], s20  }
0x9f: {  	s4 =	ssub.s32 $0x0, s20;
	[sflag:s22] =	ssyncset.done $0x0  }
0xa0: {  	[sflag:s22] =	ssyncadd.s32 s4;
	_ =	sdelay $0x1  }
0xa1: {  	s23 =	simm.s32 $0x1B8B  }
0xa2: {  	_ =	swait.ge [sflag:s23], $0x1  }
0xa3: {  	[sflag:s23] =	ssyncset.done $0x0  }
0xa4: {  	s25 =	simm.s32 $0x1B8E;
	s24 =	sld [smem:$0x3FFE];
	[sflag:s23] =	ssyncadd.s32 $0xFFFFFFFF  }
0xa5: {  	s26 =	simm.s32 $execute0_lowered;
	[smem:$0x3FD2] =	sst s25  }
0xa6: {  	s5 =	sshll.u32 s26, $0x1;
	_ =	strace $0x80000046;
	[dreg:$0x1] =	wrdreg $0xFFFFFFFF  }
0xa7: {  	s28 =	simm.s32 $_size_execute0_lowered;
	s3 =	sadd.s32 s3, s5;
	[dreg:$0x0] =	wrdreg $0x0  }
0xa8: {  	s5 =	sshll.u32 s28, $0x1;
	[dreg:$0x2] =	wrdreg s3  }
0xa9: {  	[dreg:$0x3] =	wrdreg s5  }
0xaa: {  	[dreg:$0x4] =	wrdreg $0xC0  }
0xab: {  	_ =	task [dreg:s7], $0x5FFFF  }
0xac: {  	[dreg:$0x1] =	wrdreg $0xFFFFFFFF  }
0xad: {  	[dreg:$0x0] =	wrdreg $0x60  }
0xae: {  	[dreg:$0x2] =	wrdreg s2  }
0xaf: {  	[dreg:$0x3] =	wrdreg s24  }
0xb0: {  	[dreg:$0x4] =	wrdreg $0x9  }
0xb1: {  	_ =	task.clear_ibuf [dreg:s7], $0x5FFFF;
	_ =	strace $0x90000046  }
0xb2: {  	s29 =	simm.s32 $0x9;
	_ =	strace $0x80000048  }
0xb3: {  	_ =	swait.ge [sflag:s29], $0x1  }
0xb4: {  	[sflag:s29] =	ssyncadd.s32 $0xFFFFFFFF  }
0xb5: {  	_ =	strace $0x90000048  }
0xb6: {  	_ =	sfence  }
0xb7: {  	s30 =	sld [smem:$0x0];
	_ =	sdelay $0x2  }
0xb8: {  	s31 =	sshll.u32 s1, $0xD;
	s1 =	sshrl.u32 s1, $0x2  }
0xb9: {  	s3 =	sand.u32 $0x4000, s31;
	s1 =	sadd.s32 s1, s30  }
0xba: {  	s0 =	sor.u32 s3, s0;
	s1 =	sshll.u32 s1, $0x11  }
0xbb: {  	s0 =	sor.u32 s1, s0  }
0xbc: {  	s0 =	sadd.s32 $0x8F2B, s0  }
0xbd: {  	[sflag:s0] =	ssyncadd.remote.s32 $0x1  }
0xbe: {  	_ =	sfence.sel $0xFFFF  }
0xbf: {  	[dreg:$0x0] =	wrdreg $0xFFFFFFFF;
	(pc) =	sbr.abs _section_cstart, $3  }
0xc0: {  	[dreg:$0x1] =	wrdreg $0xFFFFFFFF  }
0xc1: {  	_ =	task.clear_ibuf [dreg:s7], $0x2FFFF;
	_ =	strace $0x9FFFFFFF  }
0xc2: {  	(tm) =	ssettm $0x7FFFFFFF  }
0xc3: {  	_ =	shalt  }
tec
execute0_lowered:
.L_overlay_start_1:
0x0: {  	(tag) =	ssettag $0x1  }
0x1: {  	s1 =	rddreg [dreg:$0x0]  }
0x2: {  	s3 =	rddreg [dreg:$0x1]  }
0x3: {  	s0 =	rddreg [dreg:$0x2];
	s2 =	simm.s32 $0x0  }
0x4: {  	s4 =	srdreg.scid;
	s19 =	stileid.u32;
	s16 =	simm.s32 $0x1100  }
0x5: {  	s17 =	simm.s32 $0x2;
	s18 =	simm.s32 $0x3;
	[smem:$0x7FF] =	sst s2  }
0x6: {  	s7 =	sand.u32 $0x1, s4;
	s8 =	sadd.s32 $0x3400, s3;
	s6 =	sshll.u32 s19, $0x1  }
0x7: {  	s9 =	sadd.s32 $0x34600, s3;
	s12 =	sshll.u32 s19, $0xC;
	s13 =	sshll.u32 s19, $0x5  }
0x8: {  	p0 =	sne.s32 s19, $0x0;
	s19 =	simm.s32 $0x0;
	_ =	strace $0x80000047  }
0x9: {  	s4 =	ssub.s32 $0x2, s7;
	s10 =	sor.u32 s7, s6;
	s12 =	sadd.s32 s12, s9  }
0xa: {  	s14 =	sshll.u32 s7, $0xB;
	s13 =	sadd.s32 s13, s8;
	s15 =	sshll.u32 s7, $0x4  }
0xb: {  	s5 =	sshrl.u32 s4, $0x1;
	s28 =	sshll.u32 s10, $0x4;
	s11 =	sor.u32 $0x20, s10  }
0xc: {  	s29 =	sshll.u32 s10, $0xB;
	s31 =	sadd.s32 s15, s13;
	s10 =	sor.u32 $0x60, s10  }
0xd: {  	s13 =	simm.s32 $0x100;
	s15 =	simm.s32 $0x20;
	s26 =	ssub.s32 s4, s5  }
0xe: {  	s4 =	sadd.s32 s8, s28;
	s30 =	sshll.u32 s11, $0x4;
	s5 =	sadd.s32 s9, s29  }
0xf: {  	s11 =	sshll.u32 s11, $0xB;
	s3 =	smax.u32 s26, $0x1;
	s6 =	sadd.s32 s8, s30  }
0x10: {  	s7 =	sadd.s32 s9, s11;
	s8 =	sadd.s32 s14, s12;
	s9 =	sadd.s32 $0x600, s31  }
0x11: {  	s11 =	simm.s32 $0x5;
	s12 =	simm.s32 $0x80;
	s14 =	simm.s32 $0x1  }
.LBB2_1:
0x12: {  	[tilespmem:s2], [sflag:$0x5] =	stream.linear.gather [hbm4b:s4+s2], $0x80, $0x38;
	[tilespmem:$0x2100] =	vst v63  }
0x13: {  	_ =	swait.ge [sflag:s11], $0x80  }
0x14: {  	[sflag:s11] =	ssyncset.done $0x0  }
0x15: {  	[sflag:s11] =	ssyncadd.s32 $0xFFFFFF80  }
0x16: {  	[tilespmem:s13], [sflag:$0x1] =	stream.indirect.gather [hbm4b:s1+s12], $0x20, s2, s12, $0xb8;
	[tilespmem:$0x2100] =	vst v63  }
0x17: {  	_ =	swait.ge [sflag:s14], $0x1000  }
0x18: {  	[sflag:s14] =	ssyncset.done $0x0  }
0x19: {  	[sflag:s14] =	ssyncadd.s32 $0xFFFFF000  }
0x1a: {  	[hbm4b:s5+s15] =	stream.strided.scatter [tilespmem:s13], [sflag:$0x3], $0x1000, s12, s15, $0x38;
	[tilespmem:$0x2100] =	vst v63  }
0x1b: {  	_ = 	snop  }
0x1c: {  	[tilespmem:s12], [sflag:$0x5] =	stream.linear.gather [hbm4b:s6+s2], $0x80, $0x38;
	[tilespmem:$0x2100] =	vst v63  }
0x1d: {  	_ =	swait.ge [sflag:s11], $0x80  }
0x1e: {  	[sflag:s11] =	ssyncset.done $0x0  }
0x1f: {  	[sflag:s11] =	ssyncadd.s32 $0xFFFFFF80  }
0x20: {  	[tilespmem:s16], [sflag:$0x2] =	stream.indirect.gather [hbm4b:s1+s12], $0x20, s12, s12, $0xb8;
	[tilespmem:$0x2100] =	vst v63  }
0x21: {  	_ =	swait.ge [sflag:s17], $0x1000  }
0x22: {  	[sflag:s17] =	ssyncset.done $0x0  }
0x23: {  	[sflag:s17] =	ssyncadd.s32 $0xFFFFF000  }
0x24: {  	[hbm4b:s7+s15] =	stream.strided.scatter [tilespmem:s16], [sflag:$0x4], $0x1000, s12, s15, $0x38;
	[tilespmem:$0x2100] =	vst v63  }
0x25: {  	_ =	swait.ge [sflag:s18], $0x1000  }
0x26: {  	[sflag:s18] =	ssyncset.done $0x0  }
0x27: {  	s20 =	sadd.s32 $0xFFFFFE00, s9;
	[sflag:s18] =	ssyncadd.s32 $0xFFFFF000  }
0x28: {  	[tilespmem:s2], [sflag:$0x5] =	stream.linear.gather [hbm4b:s20+s2], $0x80, $0x38;
	[tilespmem:$0x2100] =	vst v63  }
0x29: {  	_ =	swait.ge [sflag:s11], $0x80  }
0x2a: {  	[sflag:s11] =	ssyncset.done $0x0  }
0x2b: {  	[sflag:s11] =	ssyncadd.s32 $0xFFFFFF80  }
0x2c: {  	[tilespmem:s13], [sflag:$0x1] =	stream.indirect.gather [hbm4b:s1+s12], $0x20, s2, s12, $0xb8;
	[tilespmem:$0x2100] =	vst v63  }
0x2d: {  	_ =	swait.ge [sflag:s14], $0x1000  }
0x2e: {  	s31 =	sadd.s32 $0x0, s8;
	p1 =	sgt.u32 s10, $0x4E1;
	[sflag:s14] =	ssyncset.done $0x0  }
0x2f: {  	s21 =	simm.s32 @!p1 $0x4;
	s20 =	sadd.s32 $0x20000, s31;
	[sflag:s14] =	ssyncadd.s32 $0xFFFFF000  }
0x30: {  	[hbm4b:s20+s15] =	stream.strided.scatter [tilespmem:s13], [sflag:$0x3], $0x1000, s12, s15, $0x38;
	[tilespmem:$0x2100] =	vst v63  }
0x31: {  	_ =	swait.ge @!p1 [sflag:s21], $0x1000  }
0x32: {  	s23 =	simm.s32 @!p1 $0x80;
	[sflag:s21] =	ssyncset.done @!p1 $0x0  }
0x33: {  	s20 =	simm.s32 @!p1 $0x0;
	[sflag:s21] =	ssyncadd.s32 @!p1 $0xFFFFF000;
	s21 =	simm.s32 @!p1 $0x5  }
0x34: {  	[tilespmem:s23], [sflag:$0x5] =	stream.linear.gather @!p1 [hbm4b:s9+s20], $0x80, $0x38;
	[tilespmem:$0x2100] =	vst v63  }
0x35: {  	_ =	swait.ge @!p1 [sflag:s21], $0x80  }
0x36: {  	s22 =	sadd.s32 @!p1 $0x0, s8;
	s25 =	simm.s32 @!p1 $0x1100;
	[sflag:s21] =	ssyncset.done @!p1 $0x0  }
0x37: {  	s26 =	simm.s32 @!p1 $0x2;
	s28 =	simm.s32 @!p1 $0x20;
	[sflag:s21] =	ssyncadd.s32 @!p1 $0xFFFFFF80  }
0x38: {  	[tilespmem:s25], [sflag:$0x2] =	stream.indirect.gather @!p1 [hbm4b:s1+s23], $0x20, s23, s23, $0xb8;
	[tilespmem:$0x2100] =	vst v63  }
0x39: {  	s24 =	sadd.s32 @!p1 $0x30000, s22;
	s22 =	smov.u32 s9;
	_ =	swait.ge @!p1 [sflag:s26], $0x1000  }
0x3a: {  	s20 =	simm.s32 $0x20000;
	s21 =	sadd.s32 $0x40, s10;
	[sflag:s26] =	ssyncset.done @!p1 $0x0  }
.LBB2_2:
0x3b: {  	[sflag:s26] =	ssyncadd.s32 @!p1 $0xFFFFF000  }
0x3c: {  	s22 =	sadd.s32 $0x400, s22;
	s26 =	smov.u32 s20;
	s20 =	sadd.s32 $0x20000, s20  }
0x3d: {  	[hbm4b:s24+s28] =	stream.strided.scatter @!p1 [tilespmem:s25], [sflag:$0x4], $0x1000, s23, s28, $0x38;
	[tilespmem:$0x2100] =	vst v63  }
0x3e: {  	p2 =	sne.s32 s20, $0x260000;
	_ =	swait.ge [sflag:s18], $0x1000  }
0x3f: {  	s23 =	sadd.s32 $0xFFFFFE00, s22;
	[sflag:s18] =	ssyncset.done $0x0  }
0x40: {  	[sflag:s18] =	ssyncadd.s32 $0xFFFFF000  }
0x41: {  	[tilespmem:s2], [sflag:$0x5] =	stream.linear.gather [hbm4b:s23+s2], $0x80, $0x38;
	[tilespmem:$0x2100] =	vst v63  }
0x42: {  	_ =	swait.ge [sflag:s11], $0x80  }
0x43: {  	[sflag:s11] =	ssyncset.done $0x0  }
0x44: {  	[sflag:s11] =	ssyncadd.s32 $0xFFFFFF80  }
0x45: {  	[tilespmem:s13], [sflag:$0x1] =	stream.indirect.gather [hbm4b:s1+s12], $0x20, s2, s12, $0xb8;
	[tilespmem:$0x2100] =	vst v63  }
0x46: {  	s23 =	sadd.s32 s26, s8;
	_ =	swait.ge [sflag:s14], $0x1000  }
0x47: {  	p1 =	sgt.u32 s21, $0x4E1;
	s23 =	sadd.s32 $0x20000, s23;
	[sflag:s14] =	ssyncset.done $0x0  }
0x48: {  	s25 =	simm.s32 @!p1 $0x4;
	s24 =	sadd.s32 @!p1 s26, s8;
	[sflag:s14] =	ssyncadd.s32 $0xFFFFF000  }
0x49: {  	[hbm4b:s23+s15] =	stream.strided.scatter [tilespmem:s13], [sflag:$0x3], $0x1000, s12, s15, $0x38;
	[tilespmem:$0x2100] =	vst v63  }
0x4a: {  	s24 =	sadd.s32 @!p1 $0x30000, s24;
	_ =	swait.ge @!p1 [sflag:s25], $0x1000  }
0x4b: {  	s26 =	simm.s32 @!p1 $0x0;
	s23 =	simm.s32 @!p1 $0x80;
	[sflag:s25] =	ssyncset.done @!p1 $0x0  }
0x4c: {  	s28 =	simm.s32 @!p1 $0x5;
	[sflag:s25] =	ssyncadd.s32 @!p1 $0xFFFFF000  }
0x4d: {  	[tilespmem:s23], [sflag:$0x5] =	stream.linear.gather @!p1 [hbm4b:s22+s26], $0x80, $0x38;
	[tilespmem:$0x2100] =	vst v63  }
0x4e: {  	_ =	swait.ge @!p1 [sflag:s28], $0x80  }
.Ltmp0:
0x4f: {  	s25 =	simm.s32 @!p1 $0x1100;
	[sflag:s28] =	ssyncset.done @!p1 $0x0;
	(pc) =	sbr.rel @p2 .LBB2_2-.Ltmp0, $4  }
0x50: {  	s26 =	simm.s32 @!p1 $0x2;
	[sflag:s28] =	ssyncadd.s32 @!p1 $0xFFFFFF80  }
0x51: {  	[tilespmem:s25], [sflag:$0x2] =	stream.indirect.gather @!p1 [hbm4b:s1+s23], $0x20, s23, s23, $0xb8;
	[tilespmem:$0x2100] =	vst v63  }
0x52: {  	_ =	swait.ge @!p1 [sflag:s26], $0x1000  }
0x53: {  	s21 =	sadd.s32 $0x40, s21;
	s28 =	simm.s32 @!p1 $0x20;
	[sflag:s26] =	ssyncset.done @!p1 $0x0  }
0x54: {  	[sflag:s26] =	ssyncadd.s32 @!p1 $0xFFFFF000;
	s19 =	sadd.s32 $0x1, s19  }
0x55: {  	[hbm4b:s24+s28] =	stream.strided.scatter @!p1 [tilespmem:s25], [sflag:$0x4], $0x1000, s23, s28, $0x38;
	[tilespmem:$0x2100] =	vst v63  }
0x56: {  	p1 =	sne.s32 s19, s3;
	_ =	swait.ge [sflag:s18], $0x1000  }
.Ltmp1:
0x57: {  	[sflag:s18] =	ssyncset.done $0x0;
	(pc) =	sbr.rel @p1 .LBB2_1-.Ltmp1, $4  }
0x58: {  	s20 =	simm.s32 @!p0 $0x4;
	[sflag:s18] =	ssyncadd.s32 $0xFFFFF000  }
0x59: {  	_ =	swait.ge @!p0 [sflag:s20], $0x1000  }
0x5a: {  	[sflag:s20] =	ssyncset.done @!p0 $0x0  }
0x5b: {  	[sflag:s20] =	ssyncadd.s32 @!p0 $0xFFFFF000  }
0x5c: {  	_ =	sfence.sel $0x180000  }
0x5d: {  	[bflag:$0x0] =	sbarrier.arrive $0xFFFF  }
0x5e: {  	_ =	strace $0x90000047  }
0x5f: {  	s0 =	sadd.s32 @!p0 $0x100000, s0;
	[bflag:$0x2] =	sbarrier.arrive $0xFFFF  }
0x60: {  	[sflag:s0] =	ssyncadd.tile.s32 @!p0 $0x1;
	_ =	shalt  }
.Lfunc_end2:
_tile_overlayer_lowered:
.L_overlay_start_2:
0x61: {  	(tag) =	ssettag $0x2  }
0x62: {  	s0 =	rddreg [dreg:$0x0];
	s2 =	stileid.u32  }
0x63: {  	s1 =	rddreg [dreg:$0x1];
	p0 =	sne.s32 s2, $0x0  }
0x64: {  	s3 =	rddreg [dreg:$0x2];
	[bflag:$0x3] =	sbarrier.arrive $0xFFFF;
	s2 =	simm.s32 @!p0 $0x1C05  }
0x65: {  	[timem:s3], [sflag:s2] =	dma.local @!p0 [hbm:s0], s1  }
0x66: {  	s0 =	simm.s32 @!p0 $0x5  }
0x67: {  	_ =	swait.ge @!p0 [sflag:s0], s1  }
0x68: {  	s1 =	ssub.s32 @!p0 $0x0, s1;
	[sflag:s0] =	ssyncset.done @!p0 $0x0  }
0x69: {  	[sflag:s0] =	ssyncadd.s32 @!p0 s1  }
0x6a: {  	[bflag:$0x3] =	sbarrier.arrive $0xFFFF  }
0x6b: {  	_ =	shalt  }

</sc_bundles>
